<compile_context>
chip_gen: v7x
topology: tpu7x:2x2x1
jax: 0.10.2.dev20260603
libtpu: 0.0.44.dev20260713+nightly
codegen_flags: <defaults>
</compile_context>

<pallas_src>
import functools

import jax
import jax.numpy as jnp
from jax import lax
from jax.experimental import pallas as pl
from jax.experimental.pallas import tpu as pltpu
from jax.experimental.pallas import tpu_sc as plsc

_N = 1000
_P = 1024
_L = 16
_NT = 16
_E = _P // _NT
_CPT = _E // _L
_SIGMA = 0.5
_THR = 0.05
_BIG_I32 = 2**31 - 1


def _snms_body(hx1, hy1, hx2, hy2, hm, out,
               vx1, vy1, vx2, vy2, var, vm, vfin, locb, gbuf, shared):
    @pl.when(lax.axis_index("c") == 0)
    def _():
        w = lax.axis_index("s")
        base = w * _E

        pltpu.sync_copy(hx1, vx1)
        pltpu.sync_copy(hy1, vy1)
        pltpu.sync_copy(hx2, vx2)
        pltpu.sync_copy(hy2, vy2)
        pltpu.sync_copy(hm, vm)

        lanes = lax.iota(jnp.int32, _L)
        lane0 = lanes == 0
        stride8 = lanes * 8
        dnums = lax.GatherDimensionNumbers(
            offset_dims=(), collapsed_slice_dims=(0,), start_index_map=(0,))

        def perm(x, idx):
            return lax.gather(x, idx[:, None], dnums, (1,),
                              mode=lax.GatherScatterMode.PROMISE_IN_BOUNDS)

        lane15 = jnp.full((_L,), 15, jnp.int32)

        def bcast_max(x):
            return perm(plsc.cummax(x), lane15)

        def bcast_min_i32(x):
            return -perm(plsc.cummax(-x), lane15)

        zeros = jnp.zeros((_L,), jnp.float32)
        for k in range(_CPT):
            sl = pl.ds(base + k * _L, _L)
            var[sl] = (vx2[sl] - vx1[sl]) * (vy2[sl] - vy1[sl])
            vfin[sl] = zeros

        def decay_chunk(sl, decayed):
            bx1, by1, bx2, by2, a_i = decayed
            mc = vm[sl]
            cx1 = vx1[sl]
            cy1 = vy1[sl]
            cx2 = vx2[sl]
            cy2 = vy2[sl]
            xx1 = jnp.where(bx1 > cx1, bx1, cx1)
            yy1 = jnp.where(by1 > cy1, by1, cy1)
            xx2 = jnp.where(bx2 < cx2, bx2, cx2)
            yy2 = jnp.where(by2 < cy2, by2, cy2)
            dx = xx2 - xx1
            dy = yy2 - yy1
            inter = (jnp.where(dx > 0.0, dx, 0.0)
                     * jnp.where(dy > 0.0, dy, 0.0))
            iou = inter / (a_i + var[sl] - inter + 1e-7)
            dec = jnp.exp(iou * iou * (-1.0 / _SIGMA))
            mn = jnp.where(mc >= 0.0, mc * dec, mc)
            vm[sl] = mn
            return mn

        def decay_only(decayed):
            for k in range(_CPT):
                decay_chunk(pl.ds(base + k * _L, _L), decayed)

        def local_scan(decayed):
            b1 = jnp.full((_L,), -2.0, jnp.float32)
            i1 = jnp.zeros((_L,), jnp.int32)
            b2 = jnp.full((_L,), -3.0, jnp.float32)
            i2 = jnp.zeros((_L,), jnp.int32)
            for k in range(_CPT):
                off = base + k * _L
                sl = pl.ds(off, _L)
                if decayed is None:
                    mn = vm[sl]
                else:
                    mn = decay_chunk(sl, decayed)
                ix = lanes + off
                gt1 = mn > b1
                gt2 = mn > b2
                b2 = jnp.where(gt1, b1, jnp.where(gt2, mn, b2))
                i2 = jnp.where(gt1, i1, jnp.where(gt2, ix, i2))
                b1 = jnp.where(gt1, mn, b1)
                i1 = jnp.where(gt1, ix, i1)
            lv1 = bcast_max(b1)
            li1 = bcast_min_i32(jnp.where(b1 == lv1, i1, _BIG_I32))
            isw = i1 == li1
            ev = jnp.where(isw, b2, b1)
            ei = jnp.where(isw, i2, i1)
            lv2 = bcast_max(ev)
            li2 = bcast_min_i32(jnp.where(ev == lv2, ei, _BIG_I32))
            return lv1, li1, lv2, li2

        def exchange(par, lv1, li1, lv2, li2):
            locb[:] = jnp.where(
                lane0, lv1,
                jnp.where(lanes == 1, plsc.bitcast(li1, jnp.float32),
                          jnp.where(lanes == 2, lv2,
                                    plsc.bitcast(li2, jnp.float32))))
            pltpu.sync_copy(locb.at[pl.ds(0, 8)],
                            shared.at[par & 1, pl.ds(w * 8, 8)])
            plsc.subcore_barrier()
            pltpu.sync_copy(shared.at[par & 1], gbuf)
            v1 = plsc.load_gather(gbuf, [stride8])
            x1 = plsc.bitcast(plsc.load_gather(gbuf, [stride8 + 1]), jnp.int32)
            v2 = plsc.load_gather(gbuf, [stride8 + 2])
            x2 = plsc.bitcast(plsc.load_gather(gbuf, [stride8 + 3]), jnp.int32)
            g1v = bcast_max(v1)
            g1i = bcast_min_i32(jnp.where(v1 == g1v, x1, _BIG_I32))
            isw = x1 == g1i
            ev = jnp.where(isw, v2, v1)
            ei = jnp.where(isw, x2, x1)
            g2v = bcast_max(ev)
            g2i = bcast_min_i32(jnp.where(ev == g2v, ei, _BIG_I32))
            ax1 = plsc.load_gather(vx1, [g1i])
            ay1 = plsc.load_gather(vy1, [g1i])
            ax2 = plsc.load_gather(vx2, [g1i])
            ay2 = plsc.load_gather(vy2, [g1i])
            qx1 = plsc.load_gather(vx1, [g2i])
            qy1 = plsc.load_gather(vy1, [g2i])
            qx2 = plsc.load_gather(vx2, [g2i])
            qy2 = plsc.load_gather(vy2, [g2i])
            ox = jnp.where(ax2 < qx2, ax2, qx2) - jnp.where(ax1 > qx1, ax1, qx1)
            oy = jnp.where(ay2 < qy2, ay2, qy2) - jnp.where(ay1 > qy1, ay1, qy1)
            disjoint = jnp.any((ox <= 0.0) | (oy <= 0.0))
            return (g1i, g1v, (ax1, ay1, ax2, ay2),
                    g2i, g2v, (qx1, qy1, qx2, qy2), disjoint, par + 1)

        t2 = local_scan(None)
        bo, v, bcrd, pbo, pv, pcrd, pvalid, par = exchange(0, *t2)

        def cond_fn(state):
            t, _, v, *_ = state
            return (t < _N) & jnp.any(v >= _THR)

        def body(state):
            t, bo, v, bcrd, pbo, pv, pcrd, pvalid, par = state
            plsc.store_scatter(vfin, [bo], v, mask=lane0)
            plsc.store_scatter(vm, [bo], jnp.full((_L,), -1.0, jnp.float32),
                               mask=lane0)
            bx1, by1, bx2, by2 = bcrd
            a_i = (bx2 - bx1) * (by2 - by1)
            dargs = (bx1, by1, bx2, by2, a_i)

            def take_pending():
                decay_only(dargs)
                return (pbo, pv, pcrd, pbo, pv, pcrd,
                        jnp.zeros((), jnp.bool_), par)

            def do_exchange():
                return exchange(par, *local_scan(dargs))

            return (t + 1,) + lax.cond(pvalid, take_pending, do_exchange)

        lax.while_loop(cond_fn, body,
                       (jnp.zeros((), jnp.int32), bo, v, bcrd,
                        pbo, pv, pcrd, pvalid, par))

        pltpu.sync_copy(vfin.at[pl.ds(base, _E)], out.at[pl.ds(base, _E)])


_snms = functools.partial(
    pl.kernel,
    out_type=jax.ShapeDtypeStruct((_P,), jnp.float32),
    mesh=plsc.VectorSubcoreMesh(core_axis_name="c", subcore_axis_name="s",
                                num_cores=2, num_subcores=16),
    scratch_types=(
        [pltpu.VMEM((_P,), jnp.float32) for _ in range(7)]
        + [pltpu.VMEM((_L,), jnp.float32),
           pltpu.VMEM((_NT * 8,), jnp.float32),
           pltpu.VMEM_SHARED((2, _NT * 8), jnp.float32)]
    ),
    compiler_params=pltpu.CompilerParams(needs_layout_passes=False),
)(_snms_body)


@jax.jit
def kernel(boxes, scores):
    pad = _P - _N
    return _snms(
        jnp.pad(boxes[:, 0], (0, pad)),
        jnp.pad(boxes[:, 1], (0, pad)),
        jnp.pad(boxes[:, 2], (0, pad)),
        jnp.pad(boxes[:, 3], (0, pad)),
        jnp.pad(scores, (0, pad), constant_values=-1.0),
    )[:_N]

# --- scband reference (transcript-rebuilt; emitter-appended) ---
"""Pipeline reference for scband-testing-module-82282983457187 (READ-ONLY COPY).

The authoritative reference and input builder live on the scoring server;
editing this copy changes nothing except your own understanding.
"""

import jax, jax.numpy as jnp
import numpy as np


def _iou_one_vs_all(box, boxes):
    x1 = jnp.maximum(box[0], boxes[:, 0])
    y1 = jnp.maximum(box[1], boxes[:, 1])
    x2 = jnp.minimum(box[2], boxes[:, 2])
    y2 = jnp.minimum(box[3], boxes[:, 3])
    inter = jnp.maximum(x2 - x1, 0.0) * jnp.maximum(y2 - y1, 0.0)
    area_b = (box[2] - box[0]) * (box[3] - box[1])
    areas = (boxes[:, 2] - boxes[:, 0]) * (boxes[:, 3] - boxes[:, 1])
    return inter / (area_b + areas - inter + 1e-7)


def soft_nms(boxes, scores, sigma=0.5, score_threshold=0.05):
    # Gaussian soft-NMS: iteratively select the highest-scoring active box,
    # decay all remaining active scores by exp(-iou^2 / sigma), record the
    # selected score as final, and deactivate the selected box.
    n = scores.shape[0]

    def body(carry, _):
        sw, final, active = carry
        masked = jnp.where(active, sw, -jnp.inf)
        i = jnp.argmax(masked)
        si = sw[i]
        iou = _iou_one_vs_all(boxes[i], boxes)
        decay = jnp.exp(-(iou * iou) / sigma)
        sw2 = jnp.where(active, sw * decay, sw)
        sw2 = sw2.at[i].set(si)
        final2 = final.at[i].set(si)
        active2 = active.at[i].set(False)
        return (sw2, final2, active2), None

    init = (scores, jnp.zeros_like(scores), jnp.ones((n,), dtype=bool))
    (sw, final, active), _ = jax.lax.scan(body, init, None, length=n)
    return jnp.where(final >= score_threshold, final, jnp.zeros_like(final))


def setup_inputs(seed: int = 0) -> dict:
    key = jax.random.key(seed)
    k1, k2 = jax.random.split(key)
    raw = jax.random.uniform(k1, (1000, 4), dtype=jnp.float32)
    x1y1 = raw[:, :2] * 512.0
    x2y2 = x1y1 + raw[:, 2:] * 64.0 + 1.0
    boxes = jnp.concatenate([x1y1, x2y2], axis=1)
    scores = jax.random.uniform(k2, (1000,), dtype=jnp.float32)
    return {"boxes": boxes, "scores": scores}


def reference(boxes, scores):
    return soft_nms(boxes, scores, 0.5, 0.05)

if __name__ == "__main__":
    import jax
    _d = setup_inputs()
    print(jax.jit(kernel)(*tuple(_d.values())))

</pallas_src>

<mosaic_0001>
#map = affine_map<(d0, d1) -> (0)>
module attributes {stable_mosaic.version = 14 : i64} {
  func.func @_snms_body(%arg0: i32, %arg1: i32, %arg2: memref<1024xf32, #tpu.memory_space<hbm>>, %arg3: memref<1024xf32, #tpu.memory_space<hbm>>, %arg4: memref<1024xf32, #tpu.memory_space<hbm>>, %arg5: memref<1024xf32, #tpu.memory_space<hbm>>, %arg6: memref<1024xf32, #tpu.memory_space<hbm>>, %arg7: memref<1024xf32, #tpu.memory_space<hbm>>, %arg8: memref<1024xf32, #tpu.memory_space<vmem>>, %arg9: memref<1024xf32, #tpu.memory_space<vmem>>, %arg10: memref<1024xf32, #tpu.memory_space<vmem>>, %arg11: memref<1024xf32, #tpu.memory_space<vmem>>, %arg12: memref<1024xf32, #tpu.memory_space<vmem>>, %arg13: memref<1024xf32, #tpu.memory_space<vmem>>, %arg14: memref<1024xf32, #tpu.memory_space<vmem>>, %arg15: memref<16xf32, #tpu.memory_space<vmem>>, %arg16: memref<128xf32, #tpu.memory_space<vmem>>, %arg17: memref<2x128xf32, #tpu.memory_space<vmem_shared>>) attributes {dimension_semantics = [#tpu.dimension_semantics<core_parallel>, #tpu.dimension_semantics<subcore_parallel>], iteration_bounds = array<i64: 2, 16>, scalar_prefetch = 0 : i64, scratch_operands = 10 : i64, tpu.core_type = #tpu.core_type<sc_vector_subcore>, window_params = [{transform_indices = #map}, {transform_indices = #map}, {transform_indices = #map}, {transform_indices = #map}, {transform_indices = #map}, {transform_indices = #map}]} {
    %eq3A = arith.constant 0 : i32
    %eq3A_0 = arith.cmpi eq, %arg0, %eq3A : i32
    %convert_element_type3A = arith.extui %eq3A_0 : i1 to i32
    %cond3A = arith.constant 0 : i32
    %cond3A_1 = arith.cmpi ne, %convert_element_type3A, %cond3A : i32
    scf.if %cond3A_1 {
      %mul3A = arith.constant 64 : i32
      %mul3A_2 = arith.muli %arg1, %mul3A : i32
      "tpu.region"() ({
        %run_scoped3A_308 = tpu.sem_alloc : memref<!tpu.dma_semaphore, #tpu.memory_space<semaphore_mem>>
        tpu.enqueue_dma source(%arg2 : memref<1024xf32, #tpu.memory_space<hbm>>) target(%arg8 : memref<1024xf32, #tpu.memory_space<vmem>>) target_semaphore(%run_scoped3A_308 : memref<!tpu.dma_semaphore, #tpu.memory_space<semaphore_mem>>)
        tpu.wait_dma2 semaphore(%run_scoped3A_308 : memref<!tpu.dma_semaphore, #tpu.memory_space<semaphore_mem>>) src(%arg2 : memref<1024xf32, #tpu.memory_space<hbm>>) dst(%arg8 : memref<1024xf32, #tpu.memory_space<vmem>>)
        tpu.yield
      }) : () -> ()
      "tpu.region"() ({
        %run_scoped3A_308 = tpu.sem_alloc : memref<!tpu.dma_semaphore, #tpu.memory_space<semaphore_mem>>
        tpu.enqueue_dma source(%arg3 : memref<1024xf32, #tpu.memory_space<hbm>>) target(%arg9 : memref<1024xf32, #tpu.memory_space<vmem>>) target_semaphore(%run_scoped3A_308 : memref<!tpu.dma_semaphore, #tpu.memory_space<semaphore_mem>>)
        tpu.wait_dma2 semaphore(%run_scoped3A_308 : memref<!tpu.dma_semaphore, #tpu.memory_space<semaphore_mem>>) src(%arg3 : memref<1024xf32, #tpu.memory_space<hbm>>) dst(%arg9 : memref<1024xf32, #tpu.memory_space<vmem>>)
        tpu.yield
      }) : () -> ()
      "tpu.region"() ({
        %run_scoped3A_308 = tpu.sem_alloc : memref<!tpu.dma_semaphore, #tpu.memory_space<semaphore_mem>>
        tpu.enqueue_dma source(%arg4 : memref<1024xf32, #tpu.memory_space<hbm>>) target(%arg10 : memref<1024xf32, #tpu.memory_space<vmem>>) target_semaphore(%run_scoped3A_308 : memref<!tpu.dma_semaphore, #tpu.memory_space<semaphore_mem>>)
        tpu.wait_dma2 semaphore(%run_scoped3A_308 : memref<!tpu.dma_semaphore, #tpu.memory_space<semaphore_mem>>) src(%arg4 : memref<1024xf32, #tpu.memory_space<hbm>>) dst(%arg10 : memref<1024xf32, #tpu.memory_space<vmem>>)
        tpu.yield
      }) : () -> ()
      "tpu.region"() ({
        %run_scoped3A_308 = tpu.sem_alloc : memref<!tpu.dma_semaphore, #tpu.memory_space<semaphore_mem>>
        tpu.enqueue_dma source(%arg5 : memref<1024xf32, #tpu.memory_space<hbm>>) target(%arg11 : memref<1024xf32, #tpu.memory_space<vmem>>) target_semaphore(%run_scoped3A_308 : memref<!tpu.dma_semaphore, #tpu.memory_space<semaphore_mem>>)
        tpu.wait_dma2 semaphore(%run_scoped3A_308 : memref<!tpu.dma_semaphore, #tpu.memory_space<semaphore_mem>>) src(%arg5 : memref<1024xf32, #tpu.memory_space<hbm>>) dst(%arg11 : memref<1024xf32, #tpu.memory_space<vmem>>)
        tpu.yield
      }) : () -> ()
      "tpu.region"() ({
        %run_scoped3A_308 = tpu.sem_alloc : memref<!tpu.dma_semaphore, #tpu.memory_space<semaphore_mem>>
        tpu.enqueue_dma source(%arg6 : memref<1024xf32, #tpu.memory_space<hbm>>) target(%arg13 : memref<1024xf32, #tpu.memory_space<vmem>>) target_semaphore(%run_scoped3A_308 : memref<!tpu.dma_semaphore, #tpu.memory_space<semaphore_mem>>)
        tpu.wait_dma2 semaphore(%run_scoped3A_308 : memref<!tpu.dma_semaphore, #tpu.memory_space<semaphore_mem>>) src(%arg6 : memref<1024xf32, #tpu.memory_space<hbm>>) dst(%arg13 : memref<1024xf32, #tpu.memory_space<vmem>>)
        tpu.yield
      }) : () -> ()
      %iota3A = tpu.iota {dimensions = array<i32: 0>} : vector<16xi32>
      %eq3A_3 = arith.constant 0 : i32
      %eq3A_4 = vector.broadcast %eq3A_3 : i32 to vector<16xi32>
      %eq3A_5 = arith.cmpi eq, %iota3A, %eq3A_4 : vector<16xi32>
      %mul3A_6 = arith.constant 8 : i32
      %mul3A_7 = vector.broadcast %mul3A_6 : i32 to vector<16xi32>
      %mul3A_8 = arith.muli %iota3A, %mul3A_7 : vector<16xi32>
      %broadcast_in_dim3A = arith.constant 15 : i32
      %broadcast_in_dim3A_9 = vector.broadcast %broadcast_in_dim3A : i32 to vector<16xi32>
      %broadcast_in_dim3A_10 = arith.constant 0.000000e+00 : f32
      %broadcast_in_dim3A_11 = vector.broadcast %broadcast_in_dim3A_10 : f32 to vector<16xf32>
      %add3A = arith.constant 0 : i32
      %add3A_12 = arith.addi %mul3A_2, %add3A : i32
      %get3A = arith.index_cast %add3A_12 : i32 to index
      %get3A_13 = tpu.vector_load %arg10[%get3A] {strides = array<i32>} : memref<1024xf32, #tpu.memory_space<vmem>>, vector<16xf32>,
      %get3A_14 = arith.index_cast %add3A_12 : i32 to index
      %get3A_15 = tpu.vector_load %arg8[%get3A_14] {strides = array<i32>} : memref<1024xf32, #tpu.memory_space<vmem>>, vector<16xf32>,
      %sub3A = arith.subf %get3A_13, %get3A_15 : vector<16xf32>
      %get3A_16 = arith.index_cast %add3A_12 : i32 to index
      %get3A_17 = tpu.vector_load %arg11[%get3A_16] {strides = array<i32>} : memref<1024xf32, #tpu.memory_space<vmem>>, vector<16xf32>,
      %get3A_18 = arith.index_cast %add3A_12 : i32 to index
      %get3A_19 = tpu.vector_load %arg9[%get3A_18] {strides = array<i32>} : memref<1024xf32, #tpu.memory_space<vmem>>, vector<16xf32>,
      %sub3A_20 = arith.subf %get3A_17, %get3A_19 : vector<16xf32>
      %mul3A_21 = arith.mulf %sub3A, %sub3A_20 : vector<16xf32>
      %swap3A = arith.index_cast %add3A_12 : i32 to index
      %swap3A_22 = tpu.vector_load %arg12[%swap3A] {strides = array<i32>} : memref<1024xf32, #tpu.memory_space<vmem>>, vector<16xf32>,
      tpu.vector_store %arg12[%swap3A], %mul3A_21 {strides = array<i32>} : memref<1024xf32, #tpu.memory_space<vmem>>, vector<16xf32>,
      %swap3A_23 = arith.index_cast %add3A_12 : i32 to index
      %swap3A_24 = tpu.vector_load %arg14[%swap3A_23] {strides = array<i32>} : memref<1024xf32, #tpu.memory_space<vmem>>, vector<16xf32>,
      tpu.vector_store %arg14[%swap3A_23], %broadcast_in_dim3A_11 {strides = array<i32>} : memref<1024xf32, #tpu.memory_space<vmem>>, vector<16xf32>,
      %add3A_25 = arith.constant 16 : i32
      %add3A_26 = arith.addi %mul3A_2, %add3A_25 : i32
      %get3A_27 = arith.index_cast %add3A_26 : i32 to index
      %get3A_28 = tpu.vector_load %arg10[%get3A_27] {strides = array<i32>} : memref<1024xf32, #tpu.memory_space<vmem>>, vector<16xf32>,
      %get3A_29 = arith.index_cast %add3A_26 : i32 to index
      %get3A_30 = tpu.vector_load %arg8[%get3A_29] {strides = array<i32>} : memref<1024xf32, #tpu.memory_space<vmem>>, vector<16xf32>,
      %sub3A_31 = arith.subf %get3A_28, %get3A_30 : vector<16xf32>
      %get3A_32 = arith.index_cast %add3A_26 : i32 to index
      %get3A_33 = tpu.vector_load %arg11[%get3A_32] {strides = array<i32>} : memref<1024xf32, #tpu.memory_space<vmem>>, vector<16xf32>,
      %get3A_34 = arith.index_cast %add3A_26 : i32 to index
      %get3A_35 = tpu.vector_load %arg9[%get3A_34] {strides = array<i32>} : memref<1024xf32, #tpu.memory_space<vmem>>, vector<16xf32>,
      %sub3A_36 = arith.subf %get3A_33, %get3A_35 : vector<16xf32>
      %mul3A_37 = arith.mulf %sub3A_31, %sub3A_36 : vector<16xf32>
      %swap3A_38 = arith.index_cast %add3A_26 : i32 to index
      %swap3A_39 = tpu.vector_load %arg12[%swap3A_38] {strides = array<i32>} : memref<1024xf32, #tpu.memory_space<vmem>>, vector<16xf32>,
      tpu.vector_store %arg12[%swap3A_38], %mul3A_37 {strides = array<i32>} : memref<1024xf32, #tpu.memory_space<vmem>>, vector<16xf32>,
      %swap3A_40 = arith.index_cast %add3A_26 : i32 to index
      %swap3A_41 = tpu.vector_load %arg14[%swap3A_40] {strides = array<i32>} : memref<1024xf32, #tpu.memory_space<vmem>>, vector<16xf32>,
      tpu.vector_store %arg14[%swap3A_40], %broadcast_in_dim3A_11 {strides = array<i32>} : memref<1024xf32, #tpu.memory_space<vmem>>, vector<16xf32>,
      %add3A_42 = arith.constant 32 : i32
      %add3A_43 = arith.addi %mul3A_2, %add3A_42 : i32
      %get3A_44 = arith.index_cast %add3A_43 : i32 to index
      %get3A_45 = tpu.vector_load %arg10[%get3A_44] {strides = array<i32>} : memref<1024xf32, #tpu.memory_space<vmem>>, vector<16xf32>,
      %get3A_46 = arith.index_cast %add3A_43 : i32 to index
      %get3A_47 = tpu.vector_load %arg8[%get3A_46] {strides = array<i32>} : memref<1024xf32, #tpu.memory_space<vmem>>, vector<16xf32>,
      %sub3A_48 = arith.subf %get3A_45, %get3A_47 : vector<16xf32>
      %get3A_49 = arith.index_cast %add3A_43 : i32 to index
      %get3A_50 = tpu.vector_load %arg11[%get3A_49] {strides = array<i32>} : memref<1024xf32, #tpu.memory_space<vmem>>, vector<16xf32>,
      %get3A_51 = arith.index_cast %add3A_43 : i32 to index
      %get3A_52 = tpu.vector_load %arg9[%get3A_51] {strides = array<i32>} : memref<1024xf32, #tpu.memory_space<vmem>>, vector<16xf32>,
      %sub3A_53 = arith.subf %get3A_50, %get3A_52 : vector<16xf32>
      %mul3A_54 = arith.mulf %sub3A_48, %sub3A_53 : vector<16xf32>
      %swap3A_55 = arith.index_cast %add3A_43 : i32 to index
      %swap3A_56 = tpu.vector_load %arg12[%swap3A_55] {strides = array<i32>} : memref<1024xf32, #tpu.memory_space<vmem>>, vector<16xf32>,
      tpu.vector_store %arg12[%swap3A_55], %mul3A_54 {strides = array<i32>} : memref<1024xf32, #tpu.memory_space<vmem>>, vector<16xf32>,
      %swap3A_57 = arith.index_cast %add3A_43 : i32 to index
      %swap3A_58 = tpu.vector_load %arg14[%swap3A_57] {strides = array<i32>} : memref<1024xf32, #tpu.memory_space<vmem>>, vector<16xf32>,
      tpu.vector_store %arg14[%swap3A_57], %broadcast_in_dim3A_11 {strides = array<i32>} : memref<1024xf32, #tpu.memory_space<vmem>>, vector<16xf32>,
      %add3A_59 = arith.constant 48 : i32
      %add3A_60 = arith.addi %mul3A_2, %add3A_59 : i32
      %get3A_61 = arith.index_cast %add3A_60 : i32 to index
      %get3A_62 = tpu.vector_load %arg10[%get3A_61] {strides = array<i32>} : memref<1024xf32, #tpu.memory_space<vmem>>, vector<16xf32>,
      %get3A_63 = arith.index_cast %add3A_60 : i32 to index
      %get3A_64 = tpu.vector_load %arg8[%get3A_63] {strides = array<i32>} : memref<1024xf32, #tpu.memory_space<vmem>>, vector<16xf32>,
      %sub3A_65 = arith.subf %get3A_62, %get3A_64 : vector<16xf32>
      %get3A_66 = arith.index_cast %add3A_60 : i32 to index
      %get3A_67 = tpu.vector_load %arg11[%get3A_66] {strides = array<i32>} : memref<1024xf32, #tpu.memory_space<vmem>>, vector<16xf32>,
      %get3A_68 = arith.index_cast %add3A_60 : i32 to index
      %get3A_69 = tpu.vector_load %arg9[%get3A_68] {strides = array<i32>} : memref<1024xf32, #tpu.memory_space<vmem>>, vector<16xf32>,
      %sub3A_70 = arith.subf %get3A_67, %get3A_69 : vector<16xf32>
      %mul3A_71 = arith.mulf %sub3A_65, %sub3A_70 : vector<16xf32>
      %swap3A_72 = arith.index_cast %add3A_60 : i32 to index
      %swap3A_73 = tpu.vector_load %arg12[%swap3A_72] {strides = array<i32>} : memref<1024xf32, #tpu.memory_space<vmem>>, vector<16xf32>,
      tpu.vector_store %arg12[%swap3A_72], %mul3A_71 {strides = array<i32>} : memref<1024xf32, #tpu.memory_space<vmem>>, vector<16xf32>,
      %swap3A_74 = arith.index_cast %add3A_60 : i32 to index
      %swap3A_75 = tpu.vector_load %arg14[%swap3A_74] {strides = array<i32>} : memref<1024xf32, #tpu.memory_space<vmem>>, vector<16xf32>,
      tpu.vector_store %arg14[%swap3A_74], %broadcast_in_dim3A_11 {strides = array<i32>} : memref<1024xf32, #tpu.memory_space<vmem>>, vector<16xf32>,
      %broadcast_in_dim3A_76 = arith.constant -2.000000e+00 : f32
      %broadcast_in_dim3A_77 = vector.broadcast %broadcast_in_dim3A_76 : f32 to vector<16xf32>
      %broadcast_in_dim3A_78 = arith.constant 0 : i32
      %broadcast_in_dim3A_79 = vector.broadcast %broadcast_in_dim3A_78 : i32 to vector<16xi32>
      %broadcast_in_dim3A_80 = arith.constant -3.000000e+00 : f32
      %broadcast_in_dim3A_81 = vector.broadcast %broadcast_in_dim3A_80 : f32 to vector<16xf32>
      %broadcast_in_dim3A_82 = arith.constant 0 : i32
      %broadcast_in_dim3A_83 = vector.broadcast %broadcast_in_dim3A_82 : i32 to vector<16xi32>
      %add3A_84 = arith.constant 0 : i32
      %add3A_85 = arith.addi %mul3A_2, %add3A_84 : i32
      %get3A_86 = arith.index_cast %add3A_85 : i32 to index
      %get3A_87 = tpu.vector_load %arg13[%get3A_86] {strides = array<i32>} : memref<1024xf32, #tpu.memory_space<vmem>>, vector<16xf32>,
      %add3A_88 = vector.broadcast %add3A_85 : i32 to vector<16xi32>
      %add3A_89 = arith.addi %iota3A, %add3A_88 : vector<16xi32>
      %gt3A = arith.cmpf ogt, %get3A_87, %broadcast_in_dim3A_77 : vector<16xf32>
      %gt3A_90 = arith.cmpf ogt, %get3A_87, %broadcast_in_dim3A_81 : vector<16xf32>
      %select_n3A = arith.select %gt3A_90, %get3A_87, %broadcast_in_dim3A_81 : vector<16xi1>, vector<16xf32>
      %select_n3A_91 = arith.select %gt3A, %broadcast_in_dim3A_77, %select_n3A : vector<16xi1>, vector<16xf32>
      %select_n3A_92 = arith.select %gt3A_90, %add3A_89, %broadcast_in_dim3A_83 : vector<16xi1>, vector<16xi32>
      %select_n3A_93 = arith.select %gt3A, %broadcast_in_dim3A_79, %select_n3A_92 : vector<16xi1>, vector<16xi32>
      %select_n3A_94 = arith.select %gt3A, %get3A_87, %broadcast_in_dim3A_77 : vector<16xi1>, vector<16xf32>
      %select_n3A_95 = arith.select %gt3A, %add3A_89, %broadcast_in_dim3A_79 : vector<16xi1>, vector<16xi32>
      %add3A_96 = arith.constant 16 : i32
      %add3A_97 = arith.addi %mul3A_2, %add3A_96 : i32
      %get3A_98 = arith.index_cast %add3A_97 : i32 to index
      %get3A_99 = tpu.vector_load %arg13[%get3A_98] {strides = array<i32>} : memref<1024xf32, #tpu.memory_space<vmem>>, vector<16xf32>,
      %add3A_100 = vector.broadcast %add3A_97 : i32 to vector<16xi32>
      %add3A_101 = arith.addi %iota3A, %add3A_100 : vector<16xi32>
      %gt3A_102 = arith.cmpf ogt, %get3A_99, %select_n3A_94 : vector<16xf32>
      %gt3A_103 = arith.cmpf ogt, %get3A_99, %select_n3A_91 : vector<16xf32>
      %select_n3A_104 = arith.select %gt3A_103, %get3A_99, %select_n3A_91 : vector<16xi1>, vector<16xf32>
      %select_n3A_105 = arith.select %gt3A_102, %select_n3A_94, %select_n3A_104 : vector<16xi1>, vector<16xf32>
      %select_n3A_106 = arith.select %gt3A_103, %add3A_101, %select_n3A_93 : vector<16xi1>, vector<16xi32>
      %select_n3A_107 = arith.select %gt3A_102, %select_n3A_95, %select_n3A_106 : vector<16xi1>, vector<16xi32>
      %select_n3A_108 = arith.select %gt3A_102, %get3A_99, %select_n3A_94 : vector<16xi1>, vector<16xf32>
      %select_n3A_109 = arith.select %gt3A_102, %add3A_101, %select_n3A_95 : vector<16xi1>, vector<16xi32>
      %add3A_110 = arith.constant 32 : i32
      %add3A_111 = arith.addi %mul3A_2, %add3A_110 : i32
      %get3A_112 = arith.index_cast %add3A_111 : i32 to index
      %get3A_113 = tpu.vector_load %arg13[%get3A_112] {strides = array<i32>} : memref<1024xf32, #tpu.memory_space<vmem>>, vector<16xf32>,
      %add3A_114 = vector.broadcast %add3A_111 : i32 to vector<16xi32>
      %add3A_115 = arith.addi %iota3A, %add3A_114 : vector<16xi32>
      %gt3A_116 = arith.cmpf ogt, %get3A_113, %select_n3A_108 : vector<16xf32>
      %gt3A_117 = arith.cmpf ogt, %get3A_113, %select_n3A_105 : vector<16xf32>
      %select_n3A_118 = arith.select %gt3A_117, %get3A_113, %select_n3A_105 : vector<16xi1>, vector<16xf32>
      %select_n3A_119 = arith.select %gt3A_116, %select_n3A_108, %select_n3A_118 : vector<16xi1>, vector<16xf32>
      %select_n3A_120 = arith.select %gt3A_117, %add3A_115, %select_n3A_107 : vector<16xi1>, vector<16xi32>
      %select_n3A_121 = arith.select %gt3A_116, %select_n3A_109, %select_n3A_120 : vector<16xi1>, vector<16xi32>
      %select_n3A_122 = arith.select %gt3A_116, %get3A_113, %select_n3A_108 : vector<16xi1>, vector<16xf32>
      %select_n3A_123 = arith.select %gt3A_116, %add3A_115, %select_n3A_109 : vector<16xi1>, vector<16xi32>
      %add3A_124 = arith.constant 48 : i32
      %add3A_125 = arith.addi %mul3A_2, %add3A_124 : i32
      %get3A_126 = arith.index_cast %add3A_125 : i32 to index
      %get3A_127 = tpu.vector_load %arg13[%get3A_126] {strides = array<i32>} : memref<1024xf32, #tpu.memory_space<vmem>>, vector<16xf32>,
      %add3A_128 = vector.broadcast %add3A_125 : i32 to vector<16xi32>
      %add3A_129 = arith.addi %iota3A, %add3A_128 : vector<16xi32>
      %gt3A_130 = arith.cmpf ogt, %get3A_127, %select_n3A_122 : vector<16xf32>
      %gt3A_131 = arith.cmpf ogt, %get3A_127, %select_n3A_119 : vector<16xf32>
      %select_n3A_132 = arith.select %gt3A_131, %get3A_127, %select_n3A_119 : vector<16xi1>, vector<16xf32>
      %select_n3A_133 = arith.select %gt3A_130, %select_n3A_122, %select_n3A_132 : vector<16xi1>, vector<16xf32>
      %select_n3A_134 = arith.select %gt3A_131, %add3A_129, %select_n3A_121 : vector<16xi1>, vector<16xi32>
      %select_n3A_135 = arith.select %gt3A_130, %select_n3A_123, %select_n3A_134 : vector<16xi1>, vector<16xi32>
      %select_n3A_136 = arith.select %gt3A_130, %get3A_127, %select_n3A_122 : vector<16xi1>, vector<16xf32>
      %select_n3A_137 = arith.select %gt3A_130, %add3A_129, %select_n3A_123 : vector<16xi1>, vector<16xi32>
      %broadcast_in_dim3A_138 = arith.constant true
      %broadcast_in_dim3A_139 = vector.broadcast %broadcast_in_dim3A_138 : i1 to vector<16xi1>
      %masked_cummax3A = tpu.scan <max>, %select_n3A_136 masked %broadcast_in_dim3A_139 : vector<16xf32>, vector<16xi1> -> vector<16xf32>
      %broadcast_in_dim3A_140 = vector.shape_cast %broadcast_in_dim3A_9 : vector<16xi32> to vector<16x1xi32>
      %gather3A = vector.shape_cast %broadcast_in_dim3A_140 : vector<16x1xi32> to vector<16xi32>
      %gather3A_141 = tpu.dynamic_gather %masked_cummax3A[%gather3A] in [0] : vector<16xf32>, vector<16xi32> -> vector<16xf32>
      %eq3A_142 = arith.cmpf oeq, %select_n3A_136, %gather3A_141 : vector<16xf32>
      %jit3A = arith.constant 2147483647 : i32
      %broadcast_in_dim3A_143 = vector.broadcast %jit3A : i32 to vector<16xi32>
      %select_n3A_144 = arith.select %eq3A_142, %select_n3A_137, %broadcast_in_dim3A_143 : vector<16xi1>, vector<16xi32>
      %neg3A = arith.constant 0 : i32
      %neg3A_145 = vector.broadcast %neg3A : i32 to vector<16xi32>
      %neg3A_146 = arith.subi %neg3A_145, %select_n3A_144 : vector<16xi32>
      %broadcast_in_dim3A_147 = arith.constant true
      %broadcast_in_dim3A_148 = vector.broadcast %broadcast_in_dim3A_147 : i1 to vector<16xi1>
      %masked_cummax3A_149 = arith.constant -2147483648 : i32
      %masked_cummax3A_150 = vector.broadcast %masked_cummax3A_149 : i32 to vector<16xi32>
      %masked_cummax3A_151 = arith.xori %neg3A_146, %masked_cummax3A_150 : vector<16xi32>
      %masked_cummax3A_152 = tpu.scan <max>, %masked_cummax3A_151 masked %broadcast_in_dim3A_148 : vector<16xi32>, vector<16xi1> -> vector<16xi32>
      %masked_cummax3A_153 = arith.xori %masked_cummax3A_152, %masked_cummax3A_150 : vector<16xi32>
      %broadcast_in_dim3A_154 = vector.shape_cast %broadcast_in_dim3A_9 : vector<16xi32> to vector<16x1xi32>
      %gather3A_155 = vector.shape_cast %broadcast_in_dim3A_154 : vector<16x1xi32> to vector<16xi32>
      %gather3A_156 = tpu.dynamic_gather %masked_cummax3A_153[%gather3A_155] in [0] : vector<16xi32>, vector<16xi32> -> vector<16xi32>
      %neg3A_157 = arith.constant 0 : i32
      %neg3A_158 = vector.broadcast %neg3A_157 : i32 to vector<16xi32>
      %neg3A_159 = arith.subi %neg3A_158, %gather3A_156 : vector<16xi32>
      %eq3A_160 = arith.cmpi eq, %select_n3A_137, %neg3A_159 : vector<16xi32>
      %select_n3A_161 = arith.select %eq3A_160, %select_n3A_133, %select_n3A_136 : vector<16xi1>, vector<16xf32>
      %select_n3A_162 = arith.select %eq3A_160, %select_n3A_135, %select_n3A_137 : vector<16xi1>, vector<16xi32>
      %broadcast_in_dim3A_163 = arith.constant true
      %broadcast_in_dim3A_164 = vector.broadcast %broadcast_in_dim3A_163 : i1 to vector<16xi1>
      %masked_cummax3A_165 = tpu.scan <max>, %select_n3A_161 masked %broadcast_in_dim3A_164 : vector<16xf32>, vector<16xi1> -> vector<16xf32>
      %broadcast_in_dim3A_166 = vector.shape_cast %broadcast_in_dim3A_9 : vector<16xi32> to vector<16x1xi32>
      %gather3A_167 = vector.shape_cast %broadcast_in_dim3A_166 : vector<16x1xi32> to vector<16xi32>
      %gather3A_168 = tpu.dynamic_gather %masked_cummax3A_165[%gather3A_167] in [0] : vector<16xf32>, vector<16xi32> -> vector<16xf32>
      %eq3A_169 = arith.cmpf oeq, %select_n3A_161, %gather3A_168 : vector<16xf32>
      %jit3A_170 = arith.constant 2147483647 : i32
      %broadcast_in_dim3A_171 = vector.broadcast %jit3A_170 : i32 to vector<16xi32>
      %select_n3A_172 = arith.select %eq3A_169, %select_n3A_162, %broadcast_in_dim3A_171 : vector<16xi1>, vector<16xi32>
      %neg3A_173 = arith.constant 0 : i32
      %neg3A_174 = vector.broadcast %neg3A_173 : i32 to vector<16xi32>
      %neg3A_175 = arith.subi %neg3A_174, %select_n3A_172 : vector<16xi32>
      %broadcast_in_dim3A_176 = arith.constant true
      %broadcast_in_dim3A_177 = vector.broadcast %broadcast_in_dim3A_176 : i1 to vector<16xi1>
      %masked_cummax3A_178 = arith.constant -2147483648 : i32
      %masked_cummax3A_179 = vector.broadcast %masked_cummax3A_178 : i32 to vector<16xi32>
      %masked_cummax3A_180 = arith.xori %neg3A_175, %masked_cummax3A_179 : vector<16xi32>
      %masked_cummax3A_181 = tpu.scan <max>, %masked_cummax3A_180 masked %broadcast_in_dim3A_177 : vector<16xi32>, vector<16xi1> -> vector<16xi32>
      %masked_cummax3A_182 = arith.xori %masked_cummax3A_181, %masked_cummax3A_179 : vector<16xi32>
      %broadcast_in_dim3A_183 = vector.shape_cast %broadcast_in_dim3A_9 : vector<16xi32> to vector<16x1xi32>
      %gather3A_184 = vector.shape_cast %broadcast_in_dim3A_183 : vector<16x1xi32> to vector<16xi32>
      %gather3A_185 = tpu.dynamic_gather %masked_cummax3A_182[%gather3A_184] in [0] : vector<16xi32>, vector<16xi32> -> vector<16xi32>
      %neg3A_186 = arith.constant 0 : i32
      %neg3A_187 = vector.broadcast %neg3A_186 : i32 to vector<16xi32>
      %neg3A_188 = arith.subi %neg3A_187, %gather3A_185 : vector<16xi32>
      %eq3A_189 = arith.constant 1 : i32
      %eq3A_190 = vector.broadcast %eq3A_189 : i32 to vector<16xi32>
      %eq3A_191 = arith.cmpi eq, %iota3A, %eq3A_190 : vector<16xi32>
      %bitcast3A = vector.bitcast %neg3A_159 : vector<16xi32> to vector<16xf32>
      %eq3A_192 = arith.constant 2 : i32
      %eq3A_193 = vector.broadcast %eq3A_192 : i32 to vector<16xi32>
      %eq3A_194 = arith.cmpi eq, %iota3A, %eq3A_193 : vector<16xi32>
      %bitcast3A_195 = vector.bitcast %neg3A_188 : vector<16xi32> to vector<16xf32>
      %select_n3A_196 = arith.select %eq3A_194, %gather3A_168, %bitcast3A_195 : vector<16xi1>, vector<16xf32>
      %select_n3A_197 = arith.select %eq3A_191, %bitcast3A, %select_n3A_196 : vector<16xi1>, vector<16xf32>
      %select_n3A_198 = arith.select %eq3A_5, %gather3A_141, %select_n3A_197 : vector<16xi1>, vector<16xf32>
      %swap3A_199 = arith.constant 0 : index
      %swap3A_200 = tpu.vector_load %arg15[%swap3A_199] {strides = array<i32>} : memref<16xf32, #tpu.memory_space<vmem>>, vector<16xf32>,
      tpu.vector_store %arg15[%swap3A_199], %select_n3A_198 {strides = array<i32>} : memref<16xf32, #tpu.memory_space<vmem>>, vector<16xf32>,
      %mul3A_201 = arith.constant 8 : i32
      %mul3A_202 = arith.muli %arg1, %mul3A_201 : i32
      %run_scoped3A = arith.constant 0 : i32
      "tpu.region"() ({
        %run_scoped3A_308 = tpu.sem_alloc : memref<!tpu.dma_semaphore, #tpu.memory_space<semaphore_mem>>
        %dma_start3A = arith.constant 0 : i32
        %dma_start3A_309 = tpu.memref_slice %arg15[%dma_start3A] : memref<16xf32, #tpu.memory_space<vmem>> -> memref<8xf32, #tpu.memory_space<vmem>>
        %dma_start3A_310 = tpu.memref_slice %arg17[%run_scoped3A, %mul3A_202] : memref<2x128xf32, #tpu.memory_space<vmem_shared>> -> memref<1x8xf32, #tpu.memory_space<vmem_shared>>
        %dma_start3A_311 = tpu.memref_squeeze %dma_start3A_310 : memref<1x8xf32, #tpu.memory_space<vmem_shared>> -> memref<8xf32, #tpu.memory_space<vmem_shared>>
        %dma_start3A_312 = tpu.memref_slice %arg17[%run_scoped3A, %mul3A_202] : memref<2x128xf32, #tpu.memory_space<vmem_shared>> -> memref<1x8xf32, #tpu.memory_space<vmem_shared>>
        %dma_start3A_313 = tpu.memref_squeeze %dma_start3A_312 : memref<1x8xf32, #tpu.memory_space<vmem_shared>> -> memref<8xf32, #tpu.memory_space<vmem_shared>>
        %dma_start3A_314 = arith.constant 0 : i32
        %dma_start3A_315 = tpu.memref_slice %arg15[%dma_start3A_314] : memref<16xf32, #tpu.memory_space<vmem>> -> memref<8xf32, #tpu.memory_space<vmem>>
        tpu.enqueue_dma source(%dma_start3A_315 : memref<8xf32, #tpu.memory_space<vmem>>) target(%dma_start3A_313 : memref<8xf32, #tpu.memory_space<vmem_shared>>) target_semaphore(%run_scoped3A_308 : memref<!tpu.dma_semaphore, #tpu.memory_space<semaphore_mem>>)
        %dma_wait3A = arith.constant 0 : i32
        %dma_wait3A_316 = tpu.memref_slice %arg15[%dma_wait3A] : memref<16xf32, #tpu.memory_space<vmem>> -> memref<8xf32, #tpu.memory_space<vmem>>
        %dma_wait3A_317 = tpu.memref_slice %arg17[%run_scoped3A, %mul3A_202] : memref<2x128xf32, #tpu.memory_space<vmem_shared>> -> memref<1x8xf32, #tpu.memory_space<vmem_shared>>
        %dma_wait3A_318 = tpu.memref_squeeze %dma_wait3A_317 : memref<1x8xf32, #tpu.memory_space<vmem_shared>> -> memref<8xf32, #tpu.memory_space<vmem_shared>>
        %dma_wait3A_319 = tpu.memref_slice %arg17[%run_scoped3A, %mul3A_202] : memref<2x128xf32, #tpu.memory_space<vmem_shared>> -> memref<1x8xf32, #tpu.memory_space<vmem_shared>>
        %dma_wait3A_320 = tpu.memref_squeeze %dma_wait3A_319 : memref<1x8xf32, #tpu.memory_space<vmem_shared>> -> memref<8xf32, #tpu.memory_space<vmem_shared>>
        %dma_wait3A_321 = arith.constant 0 : i32
        %dma_wait3A_322 = tpu.memref_slice %arg15[%dma_wait3A_321] : memref<16xf32, #tpu.memory_space<vmem>> -> memref<8xf32, #tpu.memory_space<vmem>>
        tpu.wait_dma2 semaphore(%run_scoped3A_308 : memref<!tpu.dma_semaphore, #tpu.memory_space<semaphore_mem>>) src(%dma_wait3A_322 : memref<8xf32, #tpu.memory_space<vmem>>) dst(%dma_wait3A_320 : memref<8xf32, #tpu.memory_space<vmem_shared>>)
        tpu.yield
      }) : () -> ()
      %barrier3A = arith.constant 0 : index
      tpu.barrier barrier_id(%barrier3A)
      %run_scoped3A_203 = arith.constant 0 : i32
      "tpu.region"() ({
        %run_scoped3A_308 = tpu.sem_alloc : memref<!tpu.dma_semaphore, #tpu.memory_space<semaphore_mem>>
        %dma_start3A = arith.constant 0 : i32
        %dma_start3A_309 = tpu.memref_slice %arg17[%run_scoped3A_203, %dma_start3A] : memref<2x128xf32, #tpu.memory_space<vmem_shared>> -> memref<1x128xf32, #tpu.memory_space<vmem_shared>>
        %dma_start3A_310 = tpu.memref_squeeze %dma_start3A_309 : memref<1x128xf32, #tpu.memory_space<vmem_shared>> -> memref<128xf32, #tpu.memory_space<vmem_shared>>
        %dma_start3A_311 = arith.constant 0 : i32
        %dma_start3A_312 = tpu.memref_slice %arg17[%run_scoped3A_203, %dma_start3A_311] : memref<2x128xf32, #tpu.memory_space<vmem_shared>> -> memref<1x128xf32, #tpu.memory_space<vmem_shared>>
        %dma_start3A_313 = tpu.memref_squeeze %dma_start3A_312 : memref<1x128xf32, #tpu.memory_space<vmem_shared>> -> memref<128xf32, #tpu.memory_space<vmem_shared>>
        tpu.enqueue_dma source(%dma_start3A_313 : memref<128xf32, #tpu.memory_space<vmem_shared>>) target(%arg16 : memref<128xf32, #tpu.memory_space<vmem>>) target_semaphore(%run_scoped3A_308 : memref<!tpu.dma_semaphore, #tpu.memory_space<semaphore_mem>>)
        %dma_wait3A = arith.constant 0 : i32
        %dma_wait3A_314 = tpu.memref_slice %arg17[%run_scoped3A_203, %dma_wait3A] : memref<2x128xf32, #tpu.memory_space<vmem_shared>> -> memref<1x128xf32, #tpu.memory_space<vmem_shared>>
        %dma_wait3A_315 = tpu.memref_squeeze %dma_wait3A_314 : memref<1x128xf32, #tpu.memory_space<vmem_shared>> -> memref<128xf32, #tpu.memory_space<vmem_shared>>
        %dma_wait3A_316 = arith.constant 0 : i32
        %dma_wait3A_317 = tpu.memref_slice %arg17[%run_scoped3A_203, %dma_wait3A_316] : memref<2x128xf32, #tpu.memory_space<vmem_shared>> -> memref<1x128xf32, #tpu.memory_space<vmem_shared>>
        %dma_wait3A_318 = tpu.memref_squeeze %dma_wait3A_317 : memref<1x128xf32, #tpu.memory_space<vmem_shared>> -> memref<128xf32, #tpu.memory_space<vmem_shared>>
        tpu.wait_dma2 semaphore(%run_scoped3A_308 : memref<!tpu.dma_semaphore, #tpu.memory_space<semaphore_mem>>) src(%dma_wait3A_318 : memref<128xf32, #tpu.memory_space<vmem_shared>>) dst(%arg16 : memref<128xf32, #tpu.memory_space<vmem>>)
        tpu.yield
      }) : () -> ()
      %gather3A_204 = tpu.vector_load_idx %arg16[%mul3A_8] : memref<128xf32, #tpu.memory_space<vmem>>[vector<16xi32>], vector<16xf32>,
      %add3A_205 = arith.constant 1 : i32
      %add3A_206 = vector.broadcast %add3A_205 : i32 to vector<16xi32>
      %add3A_207 = arith.addi %mul3A_8, %add3A_206 : vector<16xi32>
      %gather3A_208 = tpu.vector_load_idx %arg16[%add3A_207] : memref<128xf32, #tpu.memory_space<vmem>>[vector<16xi32>], vector<16xf32>,
      %bitcast3A_209 = vector.bitcast %gather3A_208 : vector<16xf32> to vector<16xi32>
      %add3A_210 = arith.constant 2 : i32
      %add3A_211 = vector.broadcast %add3A_210 : i32 to vector<16xi32>
      %add3A_212 = arith.addi %mul3A_8, %add3A_211 : vector<16xi32>
      %gather3A_213 = tpu.vector_load_idx %arg16[%add3A_212] : memref<128xf32, #tpu.memory_space<vmem>>[vector<16xi32>], vector<16xf32>,
      %add3A_214 = arith.constant 3 : i32
      %add3A_215 = vector.broadcast %add3A_214 : i32 to vector<16xi32>
      %add3A_216 = arith.addi %mul3A_8, %add3A_215 : vector<16xi32>
      %gather3A_217 = tpu.vector_load_idx %arg16[%add3A_216] : memref<128xf32, #tpu.memory_space<vmem>>[vector<16xi32>], vector<16xf32>,
      %bitcast3A_218 = vector.bitcast %gather3A_217 : vector<16xf32> to vector<16xi32>
      %broadcast_in_dim3A_219 = arith.constant true
      %broadcast_in_dim3A_220 = vector.broadcast %broadcast_in_dim3A_219 : i1 to vector<16xi1>
      %masked_cummax3A_221 = tpu.scan <max>, %gather3A_204 masked %broadcast_in_dim3A_220 : vector<16xf32>, vector<16xi1> -> vector<16xf32>
      %broadcast_in_dim3A_222 = vector.shape_cast %broadcast_in_dim3A_9 : vector<16xi32> to vector<16x1xi32>
      %gather3A_223 = vector.shape_cast %broadcast_in_dim3A_222 : vector<16x1xi32> to vector<16xi32>
      %gather3A_224 = tpu.dynamic_gather %masked_cummax3A_221[%gather3A_223] in [0] : vector<16xf32>, vector<16xi32> -> vector<16xf32>
      %eq3A_225 = arith.cmpf oeq, %gather3A_204, %gather3A_224 : vector<16xf32>
      %jit3A_226 = arith.constant 2147483647 : i32
      %broadcast_in_dim3A_227 = vector.broadcast %jit3A_226 : i32 to vector<16xi32>
      %select_n3A_228 = arith.select %eq3A_225, %bitcast3A_209, %broadcast_in_dim3A_227 : vector<16xi1>, vector<16xi32>
      %neg3A_229 = arith.constant 0 : i32
      %neg3A_230 = vector.broadcast %neg3A_229 : i32 to vector<16xi32>
      %neg3A_231 = arith.subi %neg3A_230, %select_n3A_228 : vector<16xi32>
      %broadcast_in_dim3A_232 = arith.constant true
      %broadcast_in_dim3A_233 = vector.broadcast %broadcast_in_dim3A_232 : i1 to vector<16xi1>
      %masked_cummax3A_234 = arith.constant -2147483648 : i32
      %masked_cummax3A_235 = vector.broadcast %masked_cummax3A_234 : i32 to vector<16xi32>
      %masked_cummax3A_236 = arith.xori %neg3A_231, %masked_cummax3A_235 : vector<16xi32>
      %masked_cummax3A_237 = tpu.scan <max>, %masked_cummax3A_236 masked %broadcast_in_dim3A_233 : vector<16xi32>, vector<16xi1> -> vector<16xi32>
      %masked_cummax3A_238 = arith.xori %masked_cummax3A_237, %masked_cummax3A_235 : vector<16xi32>
      %broadcast_in_dim3A_239 = vector.shape_cast %broadcast_in_dim3A_9 : vector<16xi32> to vector<16x1xi32>
      %gather3A_240 = vector.shape_cast %broadcast_in_dim3A_239 : vector<16x1xi32> to vector<16xi32>
      %gather3A_241 = tpu.dynamic_gather %masked_cummax3A_238[%gather3A_240] in [0] : vector<16xi32>, vector<16xi32> -> vector<16xi32>
      %neg3A_242 = arith.constant 0 : i32
      %neg3A_243 = vector.broadcast %neg3A_242 : i32 to vector<16xi32>
      %neg3A_244 = arith.subi %neg3A_243, %gather3A_241 : vector<16xi32>
      %eq3A_245 = arith.cmpi eq, %bitcast3A_209, %neg3A_244 : vector<16xi32>
      %select_n3A_246 = arith.select %eq3A_245, %gather3A_213, %gather3A_204 : vector<16xi1>, vector<16xf32>
      %select_n3A_247 = arith.select %eq3A_245, %bitcast3A_218, %bitcast3A_209 : vector<16xi1>, vector<16xi32>
      %broadcast_in_dim3A_248 = arith.constant true
      %broadcast_in_dim3A_249 = vector.broadcast %broadcast_in_dim3A_248 : i1 to vector<16xi1>
      %masked_cummax3A_250 = tpu.scan <max>, %select_n3A_246 masked %broadcast_in_dim3A_249 : vector<16xf32>, vector<16xi1> -> vector<16xf32>
      %broadcast_in_dim3A_251 = vector.shape_cast %broadcast_in_dim3A_9 : vector<16xi32> to vector<16x1xi32>
      %gather3A_252 = vector.shape_cast %broadcast_in_dim3A_251 : vector<16x1xi32> to vector<16xi32>
      %gather3A_253 = tpu.dynamic_gather %masked_cummax3A_250[%gather3A_252] in [0] : vector<16xf32>, vector<16xi32> -> vector<16xf32>
      %eq3A_254 = arith.cmpf oeq, %select_n3A_246, %gather3A_253 : vector<16xf32>
      %jit3A_255 = arith.constant 2147483647 : i32
      %broadcast_in_dim3A_256 = vector.broadcast %jit3A_255 : i32 to vector<16xi32>
      %select_n3A_257 = arith.select %eq3A_254, %select_n3A_247, %broadcast_in_dim3A_256 : vector<16xi1>, vector<16xi32>
      %neg3A_258 = arith.constant 0 : i32
      %neg3A_259 = vector.broadcast %neg3A_258 : i32 to vector<16xi32>
      %neg3A_260 = arith.subi %neg3A_259, %select_n3A_257 : vector<16xi32>
      %broadcast_in_dim3A_261 = arith.constant true
      %broadcast_in_dim3A_262 = vector.broadcast %broadcast_in_dim3A_261 : i1 to vector<16xi1>
      %masked_cummax3A_263 = arith.constant -2147483648 : i32
      %masked_cummax3A_264 = vector.broadcast %masked_cummax3A_263 : i32 to vector<16xi32>
      %masked_cummax3A_265 = arith.xori %neg3A_260, %masked_cummax3A_264 : vector<16xi32>
      %masked_cummax3A_266 = tpu.scan <max>, %masked_cummax3A_265 masked %broadcast_in_dim3A_262 : vector<16xi32>, vector<16xi1> -> vector<16xi32>
      %masked_cummax3A_267 = arith.xori %masked_cummax3A_266, %masked_cummax3A_264 : vector<16xi32>
      %broadcast_in_dim3A_268 = vector.shape_cast %broadcast_in_dim3A_9 : vector<16xi32> to vector<16x1xi32>
      %gather3A_269 = vector.shape_cast %broadcast_in_dim3A_268 : vector<16x1xi32> to vector<16xi32>
      %gather3A_270 = tpu.dynamic_gather %masked_cummax3A_267[%gather3A_269] in [0] : vector<16xi32>, vector<16xi32> -> vector<16xi32>
      %neg3A_271 = arith.constant 0 : i32
      %neg3A_272 = vector.broadcast %neg3A_271 : i32 to vector<16xi32>
      %neg3A_273 = arith.subi %neg3A_272, %gather3A_270 : vector<16xi32>
      %gather3A_274 = tpu.vector_load_idx %arg8[%neg3A_244] : memref<1024xf32, #tpu.memory_space<vmem>>[vector<16xi32>], vector<16xf32>,
      %gather3A_275 = tpu.vector_load_idx %arg9[%neg3A_244] : memref<1024xf32, #tpu.memory_space<vmem>>[vector<16xi32>], vector<16xf32>,
      %gather3A_276 = tpu.vector_load_idx %arg10[%neg3A_244] : memref<1024xf32, #tpu.memory_space<vmem>>[vector<16xi32>], vector<16xf32>,
      %gather3A_277 = tpu.vector_load_idx %arg11[%neg3A_244] : memref<1024xf32, #tpu.memory_space<vmem>>[vector<16xi32>], vector<16xf32>,
      %gather3A_278 = tpu.vector_load_idx %arg8[%neg3A_273] : memref<1024xf32, #tpu.memory_space<vmem>>[vector<16xi32>], vector<16xf32>,
      %gather3A_279 = tpu.vector_load_idx %arg9[%neg3A_273] : memref<1024xf32, #tpu.memory_space<vmem>>[vector<16xi32>], vector<16xf32>,
      %gather3A_280 = tpu.vector_load_idx %arg10[%neg3A_273] : memref<1024xf32, #tpu.memory_space<vmem>>[vector<16xi32>], vector<16xf32>,
      %gather3A_281 = tpu.vector_load_idx %arg11[%neg3A_273] : memref<1024xf32, #tpu.memory_space<vmem>>[vector<16xi32>], vector<16xf32>,
      %lt3A = arith.cmpf olt, %gather3A_276, %gather3A_280 : vector<16xf32>
      %select_n3A_282 = arith.select %lt3A, %gather3A_276, %gather3A_280 : vector<16xi1>, vector<16xf32>
      %gt3A_283 = arith.cmpf ogt, %gather3A_274, %gather3A_278 : vector<16xf32>
      %select_n3A_284 = arith.select %gt3A_283, %gather3A_274, %gather3A_278 : vector<16xi1>, vector<16xf32>
      %sub3A_285 = arith.subf %select_n3A_282, %select_n3A_284 : vector<16xf32>
      %lt3A_286 = arith.cmpf olt, %gather3A_277, %gather3A_281 : vector<16xf32>
      %select_n3A_287 = arith.select %lt3A_286, %gather3A_277, %gather3A_281 : vector<16xi1>, vector<16xf32>
      %gt3A_288 = arith.cmpf ogt, %gather3A_275, %gather3A_279 : vector<16xf32>
      %select_n3A_289 = arith.select %gt3A_288, %gather3A_275, %gather3A_279 : vector<16xi1>, vector<16xf32>
      %sub3A_290 = arith.subf %select_n3A_287, %select_n3A_289 : vector<16xf32>
      %le3A = arith.constant 0.000000e+00 : f32
      %le3A_291 = vector.broadcast %le3A : f32 to vector<16xf32>
      %le3A_292 = arith.cmpf ole, %sub3A_285, %le3A_291 : vector<16xf32>
      %le3A_293 = arith.constant 0.000000e+00 : f32
      %le3A_294 = vector.broadcast %le3A_293 : f32 to vector<16xf32>
      %le3A_295 = arith.cmpf ole, %sub3A_290, %le3A_294 : vector<16xf32>
      %or3A = arith.ori %le3A_292, %le3A_295 : vector<16xi1>
      %reduce_or3A = arith.constant 1.000000e+00 : f32
      %reduce_or3A_296 = arith.constant 0.000000e+00 : f32
      %reduce_or3A_297 = vector.broadcast %reduce_or3A : f32 to vector<16xf32>
      %reduce_or3A_298 = vector.broadcast %reduce_or3A_296 : f32 to vector<16xf32>
      %reduce_or3A_299 = arith.select %or3A, %reduce_or3A_297, %reduce_or3A_298 : vector<16xi1>, vector<16xf32>
      %reduce_or3A_300 = arith.constant true
      %reduce_or3A_301 = vector.broadcast %reduce_or3A_300 : i1 to vector<16xi1>
      %reduce_or3A_302 = tpu.scan <max>, %reduce_or3A_299 masked %reduce_or3A_301 : vector<16xf32>, vector<16xi1> -> vector<16xf32>
      %reduce_or3A_303 = vector.extract %reduce_or3A_302[15] : f32 from vector<16xf32>
      %reduce_or3A_304 = arith.constant 0.000000e+00 : f32
      %reduce_or3A_305 = arith.cmpf ogt, %reduce_or3A_303, %reduce_or3A_304 : f32
      %while3A = arith.constant 0 : i32
      %while3A_306 = arith.constant 1 : i32
      %while3A_307:15 = scf.while (%while3A_308 = %while3A, %while3A_309 = %neg3A_244, %while3A_310 = %gather3A_224, %while3A_311 = %gather3A_274, %while3A_312 = %gather3A_275, %while3A_313 = %gather3A_276, %while3A_314 = %gather3A_277, %while3A_315 = %neg3A_273, %while3A_316 = %gather3A_253, %while3A_317 = %gather3A_278, %while3A_318 = %gather3A_279, %while3A_319 = %gather3A_280, %while3A_320 = %gather3A_281, %while3A_321 = %reduce_or3A_305, %while3A_322 = %while3A_306) : (i32, vector<16xi32>, vector<16xf32>, vector<16xf32>, vector<16xf32>, vector<16xf32>, vector<16xf32>, vector<16xi32>, vector<16xf32>, vector<16xf32>, vector<16xf32>, vector<16xf32>, vector<16xf32>, i1, i32) -> (i32, vector<16xi32>, vector<16xf32>, vector<16xf32>, vector<16xf32>, vector<16xf32>, vector<16xf32>, vector<16xi32>, vector<16xf32>, vector<16xf32>, vector<16xf32>, vector<16xf32>, vector<16xf32>, i1, i32) {
        %lt3A_323 = arith.constant 1000 : i32
        %lt3A_324 = arith.cmpi slt, %while3A_308, %lt3A_323 : i32
        %ge3A = arith.constant 5.000000e-02 : f32
        %ge3A_325 = vector.broadcast %ge3A : f32 to vector<16xf32>
        %ge3A_326 = arith.cmpf oge, %while3A_310, %ge3A_325 : vector<16xf32>
        %reduce_or3A_327 = arith.constant 1.000000e+00 : f32
        %reduce_or3A_328 = arith.constant 0.000000e+00 : f32
        %reduce_or3A_329 = vector.broadcast %reduce_or3A_327 : f32 to vector<16xf32>
        %reduce_or3A_330 = vector.broadcast %reduce_or3A_328 : f32 to vector<16xf32>
        %reduce_or3A_331 = arith.select %ge3A_326, %reduce_or3A_329, %reduce_or3A_330 : vector<16xi1>, vector<16xf32>
        %reduce_or3A_332 = arith.constant true
        %reduce_or3A_333 = vector.broadcast %reduce_or3A_332 : i1 to vector<16xi1>
        %reduce_or3A_334 = tpu.scan <max>, %reduce_or3A_331 masked %reduce_or3A_333 : vector<16xf32>, vector<16xi1> -> vector<16xf32>
        %reduce_or3A_335 = vector.extract %reduce_or3A_334[15] : f32 from vector<16xf32>
        %reduce_or3A_336 = arith.constant 0.000000e+00 : f32
        %reduce_or3A_337 = arith.cmpf ogt, %reduce_or3A_335, %reduce_or3A_336 : f32
        %and3A = arith.andi %lt3A_324, %reduce_or3A_337 : i1
        scf.condition(%and3A) %while3A_308, %while3A_309, %while3A_310, %while3A_311, %while3A_312, %while3A_313, %while3A_314, %while3A_315, %while3A_316, %while3A_317, %while3A_318, %while3A_319, %while3A_320, %while3A_321, %while3A_322 : i32, vector<16xi32>, vector<16xf32>, vector<16xf32>, vector<16xf32>, vector<16xf32>, vector<16xf32>, vector<16xi32>, vector<16xf32>, vector<16xf32>, vector<16xf32>, vector<16xf32>, vector<16xf32>, i1, i32
      } do {
      ^bb0(%while3A_308: i32, %while3A_309: vector<16xi32>, %while3A_310: vector<16xf32>, %while3A_311: vector<16xf32>, %while3A_312: vector<16xf32>, %while3A_313: vector<16xf32>, %while3A_314: vector<16xf32>, %while3A_315: vector<16xi32>, %while3A_316: vector<16xf32>, %while3A_317: vector<16xf32>, %while3A_318: vector<16xf32>, %while3A_319: vector<16xf32>, %while3A_320: vector<16xf32>, %while3A_321: i1, %while3A_322: i32):
        tpu.vector_store_idx %arg14[%while3A_309], %while3A_310 masked %eq3A_5 : memref<1024xf32, #tpu.memory_space<vmem>>[vector<16xi32>], vector<16xf32>, vector<16xi1>
        %broadcast_in_dim3A_323 = arith.constant -1.000000e+00 : f32
        %broadcast_in_dim3A_324 = vector.broadcast %broadcast_in_dim3A_323 : f32 to vector<16xf32>
        tpu.vector_store_idx %arg13[%while3A_309], %broadcast_in_dim3A_324 masked %eq3A_5 : memref<1024xf32, #tpu.memory_space<vmem>>[vector<16xi32>], vector<16xf32>, vector<16xi1>
        %sub3A_325 = arith.subf %while3A_313, %while3A_311 : vector<16xf32>
        %sub3A_326 = arith.subf %while3A_314, %while3A_312 : vector<16xf32>
        %mul3A_327 = arith.mulf %sub3A_325, %sub3A_326 : vector<16xf32>
        %add3A_328 = arith.constant 1 : i32
        %add3A_329 = arith.addi %while3A_308, %add3A_328 : i32
        %convert_element_type3A_330 = arith.extui %while3A_321 : i1 to i32
        %cond3A_331 = arith.constant 0 : i32
        %cond3A_332 = arith.cmpi ne, %convert_element_type3A_330, %cond3A_331 : i32
        %cond3A_333:14 = scf.if %cond3A_332 -> (vector<16xi32>, vector<16xf32>, vector<16xf32>, vector<16xf32>, vector<16xf32>, vector<16xf32>, vector<16xi32>, vector<16xf32>, vector<16xf32>, vector<16xf32>, vector<16xf32>, vector<16xf32>, i1, i32) {
          %add3A_334 = arith.constant 0 : i32
          %add3A_335 = arith.addi %mul3A_2, %add3A_334 : i32
          %get3A_336 = arith.index_cast %add3A_335 : i32 to index
          %get3A_337 = tpu.vector_load %arg13[%get3A_336] {strides = array<i32>} : memref<1024xf32, #tpu.memory_space<vmem>>, vector<16xf32>,
          %get3A_338 = arith.index_cast %add3A_335 : i32 to index
          %get3A_339 = tpu.vector_load %arg8[%get3A_338] {strides = array<i32>} : memref<1024xf32, #tpu.memory_space<vmem>>, vector<16xf32>,
          %get3A_340 = arith.index_cast %add3A_335 : i32 to index
          %get3A_341 = tpu.vector_load %arg9[%get3A_340] {strides = array<i32>} : memref<1024xf32, #tpu.memory_space<vmem>>, vector<16xf32>,
          %get3A_342 = arith.index_cast %add3A_335 : i32 to index
          %get3A_343 = tpu.vector_load %arg10[%get3A_342] {strides = array<i32>} : memref<1024xf32, #tpu.memory_space<vmem>>, vector<16xf32>,
          %get3A_344 = arith.index_cast %add3A_335 : i32 to index
          %get3A_345 = tpu.vector_load %arg11[%get3A_344] {strides = array<i32>} : memref<1024xf32, #tpu.memory_space<vmem>>, vector<16xf32>,
          %gt3A_346 = arith.cmpf ogt, %while3A_311, %get3A_339 : vector<16xf32>
          %select_n3A_347 = arith.select %gt3A_346, %while3A_311, %get3A_339 : vector<16xi1>, vector<16xf32>
          %gt3A_348 = arith.cmpf ogt, %while3A_312, %get3A_341 : vector<16xf32>
          %select_n3A_349 = arith.select %gt3A_348, %while3A_312, %get3A_341 : vector<16xi1>, vector<16xf32>
          %lt3A_350 = arith.cmpf olt, %while3A_313, %get3A_343 : vector<16xf32>
          %select_n3A_351 = arith.select %lt3A_350, %while3A_313, %get3A_343 : vector<16xi1>, vector<16xf32>
          %lt3A_352 = arith.cmpf olt, %while3A_314, %get3A_345 : vector<16xf32>
          %select_n3A_353 = arith.select %lt3A_352, %while3A_314, %get3A_345 : vector<16xi1>, vector<16xf32>
          %sub3A_354 = arith.subf %select_n3A_351, %select_n3A_347 : vector<16xf32>
          %sub3A_355 = arith.subf %select_n3A_353, %select_n3A_349 : vector<16xf32>
          %gt3A_356 = arith.constant 0.000000e+00 : f32
          %gt3A_357 = vector.broadcast %gt3A_356 : f32 to vector<16xf32>
          %gt3A_358 = arith.cmpf ogt, %sub3A_354, %gt3A_357 : vector<16xf32>
          %jit3A_359 = arith.constant 0.000000e+00 : f32
          %broadcast_in_dim3A_360 = vector.broadcast %jit3A_359 : f32 to vector<16xf32>
          %select_n3A_361 = arith.select %gt3A_358, %sub3A_354, %broadcast_in_dim3A_360 : vector<16xi1>, vector<16xf32>
          %gt3A_362 = arith.constant 0.000000e+00 : f32
          %gt3A_363 = vector.broadcast %gt3A_362 : f32 to vector<16xf32>
          %gt3A_364 = arith.cmpf ogt, %sub3A_355, %gt3A_363 : vector<16xf32>
          %jit3A_365 = arith.constant 0.000000e+00 : f32
          %broadcast_in_dim3A_366 = vector.broadcast %jit3A_365 : f32 to vector<16xf32>
          %select_n3A_367 = arith.select %gt3A_364, %sub3A_355, %broadcast_in_dim3A_366 : vector<16xi1>, vector<16xf32>
          %mul3A_368 = arith.mulf %select_n3A_361, %select_n3A_367 : vector<16xf32>
          %get3A_369 = arith.index_cast %add3A_335 : i32 to index
          %get3A_370 = tpu.vector_load %arg12[%get3A_369] {strides = array<i32>} : memref<1024xf32, #tpu.memory_space<vmem>>, vector<16xf32>,
          %add3A_371 = arith.addf %mul3A_327, %get3A_370 : vector<16xf32>
          %sub3A_372 = arith.subf %add3A_371, %mul3A_368 : vector<16xf32>
          %add3A_373 = arith.constant 1.000000e-07 : f32
          %add3A_374 = vector.broadcast %add3A_373 : f32 to vector<16xf32>
          %add3A_375 = arith.addf %sub3A_372, %add3A_374 : vector<16xf32>
          %div3A = arith.divf %mul3A_368, %add3A_375 : vector<16xf32>
          %mul3A_376 = arith.mulf %div3A, %div3A : vector<16xf32>
          %mul3A_377 = arith.constant -2.000000e+00 : f32
          %mul3A_378 = vector.broadcast %mul3A_377 : f32 to vector<16xf32>
          %mul3A_379 = arith.mulf %mul3A_376, %mul3A_378 : vector<16xf32>
          %exp3A = math.exp %mul3A_379 : vector<16xf32>
          %ge3A = arith.constant 0.000000e+00 : f32
          %ge3A_380 = vector.broadcast %ge3A : f32 to vector<16xf32>
          %ge3A_381 = arith.cmpf oge, %get3A_337, %ge3A_380 : vector<16xf32>
          %mul3A_382 = arith.mulf %get3A_337, %exp3A : vector<16xf32>
          %select_n3A_383 = arith.select %ge3A_381, %mul3A_382, %get3A_337 : vector<16xi1>, vector<16xf32>
          %swap3A_384 = arith.index_cast %add3A_335 : i32 to index
          %swap3A_385 = tpu.vector_load %arg13[%swap3A_384] {strides = array<i32>} : memref<1024xf32, #tpu.memory_space<vmem>>, vector<16xf32>,
          tpu.vector_store %arg13[%swap3A_384], %select_n3A_383 {strides = array<i32>} : memref<1024xf32, #tpu.memory_space<vmem>>, vector<16xf32>,
          %add3A_386 = arith.constant 16 : i32
          %add3A_387 = arith.addi %mul3A_2, %add3A_386 : i32
          %get3A_388 = arith.index_cast %add3A_387 : i32 to index
          %get3A_389 = tpu.vector_load %arg13[%get3A_388] {strides = array<i32>} : memref<1024xf32, #tpu.memory_space<vmem>>, vector<16xf32>,
          %get3A_390 = arith.index_cast %add3A_387 : i32 to index
          %get3A_391 = tpu.vector_load %arg8[%get3A_390] {strides = array<i32>} : memref<1024xf32, #tpu.memory_space<vmem>>, vector<16xf32>,
          %get3A_392 = arith.index_cast %add3A_387 : i32 to index
          %get3A_393 = tpu.vector_load %arg9[%get3A_392] {strides = array<i32>} : memref<1024xf32, #tpu.memory_space<vmem>>, vector<16xf32>,
          %get3A_394 = arith.index_cast %add3A_387 : i32 to index
          %get3A_395 = tpu.vector_load %arg10[%get3A_394] {strides = array<i32>} : memref<1024xf32, #tpu.memory_space<vmem>>, vector<16xf32>,
          %get3A_396 = arith.index_cast %add3A_387 : i32 to index
          %get3A_397 = tpu.vector_load %arg11[%get3A_396] {strides = array<i32>} : memref<1024xf32, #tpu.memory_space<vmem>>, vector<16xf32>,
          %gt3A_398 = arith.cmpf ogt, %while3A_311, %get3A_391 : vector<16xf32>
          %select_n3A_399 = arith.select %gt3A_398, %while3A_311, %get3A_391 : vector<16xi1>, vector<16xf32>
          %gt3A_400 = arith.cmpf ogt, %while3A_312, %get3A_393 : vector<16xf32>
          %select_n3A_401 = arith.select %gt3A_400, %while3A_312, %get3A_393 : vector<16xi1>, vector<16xf32>
          %lt3A_402 = arith.cmpf olt, %while3A_313, %get3A_395 : vector<16xf32>
          %select_n3A_403 = arith.select %lt3A_402, %while3A_313, %get3A_395 : vector<16xi1>, vector<16xf32>
          %lt3A_404 = arith.cmpf olt, %while3A_314, %get3A_397 : vector<16xf32>
          %select_n3A_405 = arith.select %lt3A_404, %while3A_314, %get3A_397 : vector<16xi1>, vector<16xf32>
          %sub3A_406 = arith.subf %select_n3A_403, %select_n3A_399 : vector<16xf32>
          %sub3A_407 = arith.subf %select_n3A_405, %select_n3A_401 : vector<16xf32>
          %gt3A_408 = arith.constant 0.000000e+00 : f32
          %gt3A_409 = vector.broadcast %gt3A_408 : f32 to vector<16xf32>
          %gt3A_410 = arith.cmpf ogt, %sub3A_406, %gt3A_409 : vector<16xf32>
          %jit3A_411 = arith.constant 0.000000e+00 : f32
          %broadcast_in_dim3A_412 = vector.broadcast %jit3A_411 : f32 to vector<16xf32>
          %select_n3A_413 = arith.select %gt3A_410, %sub3A_406, %broadcast_in_dim3A_412 : vector<16xi1>, vector<16xf32>
          %gt3A_414 = arith.constant 0.000000e+00 : f32
          %gt3A_415 = vector.broadcast %gt3A_414 : f32 to vector<16xf32>
          %gt3A_416 = arith.cmpf ogt, %sub3A_407, %gt3A_415 : vector<16xf32>
          %jit3A_417 = arith.constant 0.000000e+00 : f32
          %broadcast_in_dim3A_418 = vector.broadcast %jit3A_417 : f32 to vector<16xf32>
          %select_n3A_419 = arith.select %gt3A_416, %sub3A_407, %broadcast_in_dim3A_418 : vector<16xi1>, vector<16xf32>
          %mul3A_420 = arith.mulf %select_n3A_413, %select_n3A_419 : vector<16xf32>
          %get3A_421 = arith.index_cast %add3A_387 : i32 to index
          %get3A_422 = tpu.vector_load %arg12[%get3A_421] {strides = array<i32>} : memref<1024xf32, #tpu.memory_space<vmem>>, vector<16xf32>,
          %add3A_423 = arith.addf %mul3A_327, %get3A_422 : vector<16xf32>
          %sub3A_424 = arith.subf %add3A_423, %mul3A_420 : vector<16xf32>
          %add3A_425 = arith.constant 1.000000e-07 : f32
          %add3A_426 = vector.broadcast %add3A_425 : f32 to vector<16xf32>
          %add3A_427 = arith.addf %sub3A_424, %add3A_426 : vector<16xf32>
          %div3A_428 = arith.divf %mul3A_420, %add3A_427 : vector<16xf32>
          %mul3A_429 = arith.mulf %div3A_428, %div3A_428 : vector<16xf32>
          %mul3A_430 = arith.constant -2.000000e+00 : f32
          %mul3A_431 = vector.broadcast %mul3A_430 : f32 to vector<16xf32>
          %mul3A_432 = arith.mulf %mul3A_429, %mul3A_431 : vector<16xf32>
          %exp3A_433 = math.exp %mul3A_432 : vector<16xf32>
          %ge3A_434 = arith.constant 0.000000e+00 : f32
          %ge3A_435 = vector.broadcast %ge3A_434 : f32 to vector<16xf32>
          %ge3A_436 = arith.cmpf oge, %get3A_389, %ge3A_435 : vector<16xf32>
          %mul3A_437 = arith.mulf %get3A_389, %exp3A_433 : vector<16xf32>
          %select_n3A_438 = arith.select %ge3A_436, %mul3A_437, %get3A_389 : vector<16xi1>, vector<16xf32>
          %swap3A_439 = arith.index_cast %add3A_387 : i32 to index
          %swap3A_440 = tpu.vector_load %arg13[%swap3A_439] {strides = array<i32>} : memref<1024xf32, #tpu.memory_space<vmem>>, vector<16xf32>,
          tpu.vector_store %arg13[%swap3A_439], %select_n3A_438 {strides = array<i32>} : memref<1024xf32, #tpu.memory_space<vmem>>, vector<16xf32>,
          %add3A_441 = arith.constant 32 : i32
          %add3A_442 = arith.addi %mul3A_2, %add3A_441 : i32
          %get3A_443 = arith.index_cast %add3A_442 : i32 to index
          %get3A_444 = tpu.vector_load %arg13[%get3A_443] {strides = array<i32>} : memref<1024xf32, #tpu.memory_space<vmem>>, vector<16xf32>,
          %get3A_445 = arith.index_cast %add3A_442 : i32 to index
          %get3A_446 = tpu.vector_load %arg8[%get3A_445] {strides = array<i32>} : memref<1024xf32, #tpu.memory_space<vmem>>, vector<16xf32>,
          %get3A_447 = arith.index_cast %add3A_442 : i32 to index
          %get3A_448 = tpu.vector_load %arg9[%get3A_447] {strides = array<i32>} : memref<1024xf32, #tpu.memory_space<vmem>>, vector<16xf32>,
          %get3A_449 = arith.index_cast %add3A_442 : i32 to index
          %get3A_450 = tpu.vector_load %arg10[%get3A_449] {strides = array<i32>} : memref<1024xf32, #tpu.memory_space<vmem>>, vector<16xf32>,
          %get3A_451 = arith.index_cast %add3A_442 : i32 to index
          %get3A_452 = tpu.vector_load %arg11[%get3A_451] {strides = array<i32>} : memref<1024xf32, #tpu.memory_space<vmem>>, vector<16xf32>,
          %gt3A_453 = arith.cmpf ogt, %while3A_311, %get3A_446 : vector<16xf32>
          %select_n3A_454 = arith.select %gt3A_453, %while3A_311, %get3A_446 : vector<16xi1>, vector<16xf32>
          %gt3A_455 = arith.cmpf ogt, %while3A_312, %get3A_448 : vector<16xf32>
          %select_n3A_456 = arith.select %gt3A_455, %while3A_312, %get3A_448 : vector<16xi1>, vector<16xf32>
          %lt3A_457 = arith.cmpf olt, %while3A_313, %get3A_450 : vector<16xf32>
          %select_n3A_458 = arith.select %lt3A_457, %while3A_313, %get3A_450 : vector<16xi1>, vector<16xf32>
          %lt3A_459 = arith.cmpf olt, %while3A_314, %get3A_452 : vector<16xf32>
          %select_n3A_460 = arith.select %lt3A_459, %while3A_314, %get3A_452 : vector<16xi1>, vector<16xf32>
          %sub3A_461 = arith.subf %select_n3A_458, %select_n3A_454 : vector<16xf32>
          %sub3A_462 = arith.subf %select_n3A_460, %select_n3A_456 : vector<16xf32>
          %gt3A_463 = arith.constant 0.000000e+00 : f32
          %gt3A_464 = vector.broadcast %gt3A_463 : f32 to vector<16xf32>
          %gt3A_465 = arith.cmpf ogt, %sub3A_461, %gt3A_464 : vector<16xf32>
          %jit3A_466 = arith.constant 0.000000e+00 : f32
          %broadcast_in_dim3A_467 = vector.broadcast %jit3A_466 : f32 to vector<16xf32>
          %select_n3A_468 = arith.select %gt3A_465, %sub3A_461, %broadcast_in_dim3A_467 : vector<16xi1>, vector<16xf32>
          %gt3A_469 = arith.constant 0.000000e+00 : f32
          %gt3A_470 = vector.broadcast %gt3A_469 : f32 to vector<16xf32>
          %gt3A_471 = arith.cmpf ogt, %sub3A_462, %gt3A_470 : vector<16xf32>
          %jit3A_472 = arith.constant 0.000000e+00 : f32
          %broadcast_in_dim3A_473 = vector.broadcast %jit3A_472 : f32 to vector<16xf32>
          %select_n3A_474 = arith.select %gt3A_471, %sub3A_462, %broadcast_in_dim3A_473 : vector<16xi1>, vector<16xf32>
          %mul3A_475 = arith.mulf %select_n3A_468, %select_n3A_474 : vector<16xf32>
          %get3A_476 = arith.index_cast %add3A_442 : i32 to index
          %get3A_477 = tpu.vector_load %arg12[%get3A_476] {strides = array<i32>} : memref<1024xf32, #tpu.memory_space<vmem>>, vector<16xf32>,
          %add3A_478 = arith.addf %mul3A_327, %get3A_477 : vector<16xf32>
          %sub3A_479 = arith.subf %add3A_478, %mul3A_475 : vector<16xf32>
          %add3A_480 = arith.constant 1.000000e-07 : f32
          %add3A_481 = vector.broadcast %add3A_480 : f32 to vector<16xf32>
          %add3A_482 = arith.addf %sub3A_479, %add3A_481 : vector<16xf32>
          %div3A_483 = arith.divf %mul3A_475, %add3A_482 : vector<16xf32>
          %mul3A_484 = arith.mulf %div3A_483, %div3A_483 : vector<16xf32>
          %mul3A_485 = arith.constant -2.000000e+00 : f32
          %mul3A_486 = vector.broadcast %mul3A_485 : f32 to vector<16xf32>
          %mul3A_487 = arith.mulf %mul3A_484, %mul3A_486 : vector<16xf32>
          %exp3A_488 = math.exp %mul3A_487 : vector<16xf32>
          %ge3A_489 = arith.constant 0.000000e+00 : f32
          %ge3A_490 = vector.broadcast %ge3A_489 : f32 to vector<16xf32>
          %ge3A_491 = arith.cmpf oge, %get3A_444, %ge3A_490 : vector<16xf32>
          %mul3A_492 = arith.mulf %get3A_444, %exp3A_488 : vector<16xf32>
          %select_n3A_493 = arith.select %ge3A_491, %mul3A_492, %get3A_444 : vector<16xi1>, vector<16xf32>
          %swap3A_494 = arith.index_cast %add3A_442 : i32 to index
          %swap3A_495 = tpu.vector_load %arg13[%swap3A_494] {strides = array<i32>} : memref<1024xf32, #tpu.memory_space<vmem>>, vector<16xf32>,
          tpu.vector_store %arg13[%swap3A_494], %select_n3A_493 {strides = array<i32>} : memref<1024xf32, #tpu.memory_space<vmem>>, vector<16xf32>,
          %add3A_496 = arith.constant 48 : i32
          %add3A_497 = arith.addi %mul3A_2, %add3A_496 : i32
          %get3A_498 = arith.index_cast %add3A_497 : i32 to index
          %get3A_499 = tpu.vector_load %arg13[%get3A_498] {strides = array<i32>} : memref<1024xf32, #tpu.memory_space<vmem>>, vector<16xf32>,
          %get3A_500 = arith.index_cast %add3A_497 : i32 to index
          %get3A_501 = tpu.vector_load %arg8[%get3A_500] {strides = array<i32>} : memref<1024xf32, #tpu.memory_space<vmem>>, vector<16xf32>,
          %get3A_502 = arith.index_cast %add3A_497 : i32 to index
          %get3A_503 = tpu.vector_load %arg9[%get3A_502] {strides = array<i32>} : memref<1024xf32, #tpu.memory_space<vmem>>, vector<16xf32>,
          %get3A_504 = arith.index_cast %add3A_497 : i32 to index
          %get3A_505 = tpu.vector_load %arg10[%get3A_504] {strides = array<i32>} : memref<1024xf32, #tpu.memory_space<vmem>>, vector<16xf32>,
          %get3A_506 = arith.index_cast %add3A_497 : i32 to index
          %get3A_507 = tpu.vector_load %arg11[%get3A_506] {strides = array<i32>} : memref<1024xf32, #tpu.memory_space<vmem>>, vector<16xf32>,
          %gt3A_508 = arith.cmpf ogt, %while3A_311, %get3A_501 : vector<16xf32>
          %select_n3A_509 = arith.select %gt3A_508, %while3A_311, %get3A_501 : vector<16xi1>, vector<16xf32>
          %gt3A_510 = arith.cmpf ogt, %while3A_312, %get3A_503 : vector<16xf32>
          %select_n3A_511 = arith.select %gt3A_510, %while3A_312, %get3A_503 : vector<16xi1>, vector<16xf32>
          %lt3A_512 = arith.cmpf olt, %while3A_313, %get3A_505 : vector<16xf32>
          %select_n3A_513 = arith.select %lt3A_512, %while3A_313, %get3A_505 : vector<16xi1>, vector<16xf32>
          %lt3A_514 = arith.cmpf olt, %while3A_314, %get3A_507 : vector<16xf32>
          %select_n3A_515 = arith.select %lt3A_514, %while3A_314, %get3A_507 : vector<16xi1>, vector<16xf32>
          %sub3A_516 = arith.subf %select_n3A_513, %select_n3A_509 : vector<16xf32>
          %sub3A_517 = arith.subf %select_n3A_515, %select_n3A_511 : vector<16xf32>
          %gt3A_518 = arith.constant 0.000000e+00 : f32
          %gt3A_519 = vector.broadcast %gt3A_518 : f32 to vector<16xf32>
          %gt3A_520 = arith.cmpf ogt, %sub3A_516, %gt3A_519 : vector<16xf32>
          %jit3A_521 = arith.constant 0.000000e+00 : f32
          %broadcast_in_dim3A_522 = vector.broadcast %jit3A_521 : f32 to vector<16xf32>
          %select_n3A_523 = arith.select %gt3A_520, %sub3A_516, %broadcast_in_dim3A_522 : vector<16xi1>, vector<16xf32>
          %gt3A_524 = arith.constant 0.000000e+00 : f32
          %gt3A_525 = vector.broadcast %gt3A_524 : f32 to vector<16xf32>
          %gt3A_526 = arith.cmpf ogt, %sub3A_517, %gt3A_525 : vector<16xf32>
          %jit3A_527 = arith.constant 0.000000e+00 : f32
          %broadcast_in_dim3A_528 = vector.broadcast %jit3A_527 : f32 to vector<16xf32>
          %select_n3A_529 = arith.select %gt3A_526, %sub3A_517, %broadcast_in_dim3A_528 : vector<16xi1>, vector<16xf32>
          %mul3A_530 = arith.mulf %select_n3A_523, %select_n3A_529 : vector<16xf32>
          %get3A_531 = arith.index_cast %add3A_497 : i32 to index
          %get3A_532 = tpu.vector_load %arg12[%get3A_531] {strides = array<i32>} : memref<1024xf32, #tpu.memory_space<vmem>>, vector<16xf32>,
          %add3A_533 = arith.addf %mul3A_327, %get3A_532 : vector<16xf32>
          %sub3A_534 = arith.subf %add3A_533, %mul3A_530 : vector<16xf32>
          %add3A_535 = arith.constant 1.000000e-07 : f32
          %add3A_536 = vector.broadcast %add3A_535 : f32 to vector<16xf32>
          %add3A_537 = arith.addf %sub3A_534, %add3A_536 : vector<16xf32>
          %div3A_538 = arith.divf %mul3A_530, %add3A_537 : vector<16xf32>
          %mul3A_539 = arith.mulf %div3A_538, %div3A_538 : vector<16xf32>
          %mul3A_540 = arith.constant -2.000000e+00 : f32
          %mul3A_541 = vector.broadcast %mul3A_540 : f32 to vector<16xf32>
          %mul3A_542 = arith.mulf %mul3A_539, %mul3A_541 : vector<16xf32>
          %exp3A_543 = math.exp %mul3A_542 : vector<16xf32>
          %ge3A_544 = arith.constant 0.000000e+00 : f32
          %ge3A_545 = vector.broadcast %ge3A_544 : f32 to vector<16xf32>
          %ge3A_546 = arith.cmpf oge, %get3A_499, %ge3A_545 : vector<16xf32>
          %mul3A_547 = arith.mulf %get3A_499, %exp3A_543 : vector<16xf32>
          %select_n3A_548 = arith.select %ge3A_546, %mul3A_547, %get3A_499 : vector<16xi1>, vector<16xf32>
          %swap3A_549 = arith.index_cast %add3A_497 : i32 to index
          %swap3A_550 = tpu.vector_load %arg13[%swap3A_549] {strides = array<i32>} : memref<1024xf32, #tpu.memory_space<vmem>>, vector<16xf32>,
          tpu.vector_store %arg13[%swap3A_549], %select_n3A_548 {strides = array<i32>} : memref<1024xf32, #tpu.memory_space<vmem>>, vector<16xf32>,
          %cond3A_551 = arith.constant false
          scf.yield %while3A_315, %while3A_316, %while3A_317, %while3A_318, %while3A_319, %while3A_320, %while3A_315, %while3A_316, %while3A_317, %while3A_318, %while3A_319, %while3A_320, %cond3A_551, %while3A_322 : vector<16xi32>, vector<16xf32>, vector<16xf32>, vector<16xf32>, vector<16xf32>, vector<16xf32>, vector<16xi32>, vector<16xf32>, vector<16xf32>, vector<16xf32>, vector<16xf32>, vector<16xf32>, i1, i32
        } else {
          %broadcast_in_dim3A_334 = arith.constant -2.000000e+00 : f32
          %broadcast_in_dim3A_335 = vector.broadcast %broadcast_in_dim3A_334 : f32 to vector<16xf32>
          %broadcast_in_dim3A_336 = arith.constant 0 : i32
          %broadcast_in_dim3A_337 = vector.broadcast %broadcast_in_dim3A_336 : i32 to vector<16xi32>
          %broadcast_in_dim3A_338 = arith.constant -3.000000e+00 : f32
          %broadcast_in_dim3A_339 = vector.broadcast %broadcast_in_dim3A_338 : f32 to vector<16xf32>
          %broadcast_in_dim3A_340 = arith.constant 0 : i32
          %broadcast_in_dim3A_341 = vector.broadcast %broadcast_in_dim3A_340 : i32 to vector<16xi32>
          %add3A_342 = arith.constant 0 : i32
          %add3A_343 = arith.addi %mul3A_2, %add3A_342 : i32
          %get3A_344 = arith.index_cast %add3A_343 : i32 to index
          %get3A_345 = tpu.vector_load %arg13[%get3A_344] {strides = array<i32>} : memref<1024xf32, #tpu.memory_space<vmem>>, vector<16xf32>,
          %get3A_346 = arith.index_cast %add3A_343 : i32 to index
          %get3A_347 = tpu.vector_load %arg8[%get3A_346] {strides = array<i32>} : memref<1024xf32, #tpu.memory_space<vmem>>, vector<16xf32>,
          %get3A_348 = arith.index_cast %add3A_343 : i32 to index
          %get3A_349 = tpu.vector_load %arg9[%get3A_348] {strides = array<i32>} : memref<1024xf32, #tpu.memory_space<vmem>>, vector<16xf32>,
          %get3A_350 = arith.index_cast %add3A_343 : i32 to index
          %get3A_351 = tpu.vector_load %arg10[%get3A_350] {strides = array<i32>} : memref<1024xf32, #tpu.memory_space<vmem>>, vector<16xf32>,
          %get3A_352 = arith.index_cast %add3A_343 : i32 to index
          %get3A_353 = tpu.vector_load %arg11[%get3A_352] {strides = array<i32>} : memref<1024xf32, #tpu.memory_space<vmem>>, vector<16xf32>,
          %gt3A_354 = arith.cmpf ogt, %while3A_311, %get3A_347 : vector<16xf32>
          %select_n3A_355 = arith.select %gt3A_354, %while3A_311, %get3A_347 : vector<16xi1>, vector<16xf32>
          %gt3A_356 = arith.cmpf ogt, %while3A_312, %get3A_349 : vector<16xf32>
          %select_n3A_357 = arith.select %gt3A_356, %while3A_312, %get3A_349 : vector<16xi1>, vector<16xf32>
          %lt3A_358 = arith.cmpf olt, %while3A_313, %get3A_351 : vector<16xf32>
          %select_n3A_359 = arith.select %lt3A_358, %while3A_313, %get3A_351 : vector<16xi1>, vector<16xf32>
          %lt3A_360 = arith.cmpf olt, %while3A_314, %get3A_353 : vector<16xf32>
          %select_n3A_361 = arith.select %lt3A_360, %while3A_314, %get3A_353 : vector<16xi1>, vector<16xf32>
          %sub3A_362 = arith.subf %select_n3A_359, %select_n3A_355 : vector<16xf32>
          %sub3A_363 = arith.subf %select_n3A_361, %select_n3A_357 : vector<16xf32>
          %gt3A_364 = arith.constant 0.000000e+00 : f32
          %gt3A_365 = vector.broadcast %gt3A_364 : f32 to vector<16xf32>
          %gt3A_366 = arith.cmpf ogt, %sub3A_362, %gt3A_365 : vector<16xf32>
          %jit3A_367 = arith.constant 0.000000e+00 : f32
          %broadcast_in_dim3A_368 = vector.broadcast %jit3A_367 : f32 to vector<16xf32>
          %select_n3A_369 = arith.select %gt3A_366, %sub3A_362, %broadcast_in_dim3A_368 : vector<16xi1>, vector<16xf32>
          %gt3A_370 = arith.constant 0.000000e+00 : f32
          %gt3A_371 = vector.broadcast %gt3A_370 : f32 to vector<16xf32>
          %gt3A_372 = arith.cmpf ogt, %sub3A_363, %gt3A_371 : vector<16xf32>
          %jit3A_373 = arith.constant 0.000000e+00 : f32
          %broadcast_in_dim3A_374 = vector.broadcast %jit3A_373 : f32 to vector<16xf32>
          %select_n3A_375 = arith.select %gt3A_372, %sub3A_363, %broadcast_in_dim3A_374 : vector<16xi1>, vector<16xf32>
          %mul3A_376 = arith.mulf %select_n3A_369, %select_n3A_375 : vector<16xf32>
          %get3A_377 = arith.index_cast %add3A_343 : i32 to index
          %get3A_378 = tpu.vector_load %arg12[%get3A_377] {strides = array<i32>} : memref<1024xf32, #tpu.memory_space<vmem>>, vector<16xf32>,
          %add3A_379 = arith.addf %mul3A_327, %get3A_378 : vector<16xf32>
          %sub3A_380 = arith.subf %add3A_379, %mul3A_376 : vector<16xf32>
          %add3A_381 = arith.constant 1.000000e-07 : f32
          %add3A_382 = vector.broadcast %add3A_381 : f32 to vector<16xf32>
          %add3A_383 = arith.addf %sub3A_380, %add3A_382 : vector<16xf32>
          %div3A = arith.divf %mul3A_376, %add3A_383 : vector<16xf32>
          %mul3A_384 = arith.mulf %div3A, %div3A : vector<16xf32>
          %mul3A_385 = arith.constant -2.000000e+00 : f32
          %mul3A_386 = vector.broadcast %mul3A_385 : f32 to vector<16xf32>
          %mul3A_387 = arith.mulf %mul3A_384, %mul3A_386 : vector<16xf32>
          %exp3A = math.exp %mul3A_387 : vector<16xf32>
          %ge3A = arith.constant 0.000000e+00 : f32
          %ge3A_388 = vector.broadcast %ge3A : f32 to vector<16xf32>
          %ge3A_389 = arith.cmpf oge, %get3A_345, %ge3A_388 : vector<16xf32>
          %mul3A_390 = arith.mulf %get3A_345, %exp3A : vector<16xf32>
          %select_n3A_391 = arith.select %ge3A_389, %mul3A_390, %get3A_345 : vector<16xi1>, vector<16xf32>
          %swap3A_392 = arith.index_cast %add3A_343 : i32 to index
          %swap3A_393 = tpu.vector_load %arg13[%swap3A_392] {strides = array<i32>} : memref<1024xf32, #tpu.memory_space<vmem>>, vector<16xf32>,
          tpu.vector_store %arg13[%swap3A_392], %select_n3A_391 {strides = array<i32>} : memref<1024xf32, #tpu.memory_space<vmem>>, vector<16xf32>,
          %add3A_394 = vector.broadcast %add3A_343 : i32 to vector<16xi32>
          %add3A_395 = arith.addi %iota3A, %add3A_394 : vector<16xi32>
          %gt3A_396 = arith.cmpf ogt, %select_n3A_391, %broadcast_in_dim3A_335 : vector<16xf32>
          %gt3A_397 = arith.cmpf ogt, %select_n3A_391, %broadcast_in_dim3A_339 : vector<16xf32>
          %select_n3A_398 = arith.select %gt3A_397, %select_n3A_391, %broadcast_in_dim3A_339 : vector<16xi1>, vector<16xf32>
          %select_n3A_399 = arith.select %gt3A_396, %broadcast_in_dim3A_335, %select_n3A_398 : vector<16xi1>, vector<16xf32>
          %select_n3A_400 = arith.select %gt3A_397, %add3A_395, %broadcast_in_dim3A_341 : vector<16xi1>, vector<16xi32>
          %select_n3A_401 = arith.select %gt3A_396, %broadcast_in_dim3A_337, %select_n3A_400 : vector<16xi1>, vector<16xi32>
          %select_n3A_402 = arith.select %gt3A_396, %select_n3A_391, %broadcast_in_dim3A_335 : vector<16xi1>, vector<16xf32>
          %select_n3A_403 = arith.select %gt3A_396, %add3A_395, %broadcast_in_dim3A_337 : vector<16xi1>, vector<16xi32>
          %add3A_404 = arith.constant 16 : i32
          %add3A_405 = arith.addi %mul3A_2, %add3A_404 : i32
          %get3A_406 = arith.index_cast %add3A_405 : i32 to index
          %get3A_407 = tpu.vector_load %arg13[%get3A_406] {strides = array<i32>} : memref<1024xf32, #tpu.memory_space<vmem>>, vector<16xf32>,
          %get3A_408 = arith.index_cast %add3A_405 : i32 to index
          %get3A_409 = tpu.vector_load %arg8[%get3A_408] {strides = array<i32>} : memref<1024xf32, #tpu.memory_space<vmem>>, vector<16xf32>,
          %get3A_410 = arith.index_cast %add3A_405 : i32 to index
          %get3A_411 = tpu.vector_load %arg9[%get3A_410] {strides = array<i32>} : memref<1024xf32, #tpu.memory_space<vmem>>, vector<16xf32>,
          %get3A_412 = arith.index_cast %add3A_405 : i32 to index
          %get3A_413 = tpu.vector_load %arg10[%get3A_412] {strides = array<i32>} : memref<1024xf32, #tpu.memory_space<vmem>>, vector<16xf32>,
          %get3A_414 = arith.index_cast %add3A_405 : i32 to index
          %get3A_415 = tpu.vector_load %arg11[%get3A_414] {strides = array<i32>} : memref<1024xf32, #tpu.memory_space<vmem>>, vector<16xf32>,
          %gt3A_416 = arith.cmpf ogt, %while3A_311, %get3A_409 : vector<16xf32>
          %select_n3A_417 = arith.select %gt3A_416, %while3A_311, %get3A_409 : vector<16xi1>, vector<16xf32>
          %gt3A_418 = arith.cmpf ogt, %while3A_312, %get3A_411 : vector<16xf32>
          %select_n3A_419 = arith.select %gt3A_418, %while3A_312, %get3A_411 : vector<16xi1>, vector<16xf32>
          %lt3A_420 = arith.cmpf olt, %while3A_313, %get3A_413 : vector<16xf32>
          %select_n3A_421 = arith.select %lt3A_420, %while3A_313, %get3A_413 : vector<16xi1>, vector<16xf32>
          %lt3A_422 = arith.cmpf olt, %while3A_314, %get3A_415 : vector<16xf32>
          %select_n3A_423 = arith.select %lt3A_422, %while3A_314, %get3A_415 : vector<16xi1>, vector<16xf32>
          %sub3A_424 = arith.subf %select_n3A_421, %select_n3A_417 : vector<16xf32>
          %sub3A_425 = arith.subf %select_n3A_423, %select_n3A_419 : vector<16xf32>
          %gt3A_426 = arith.constant 0.000000e+00 : f32
          %gt3A_427 = vector.broadcast %gt3A_426 : f32 to vector<16xf32>
          %gt3A_428 = arith.cmpf ogt, %sub3A_424, %gt3A_427 : vector<16xf32>
          %jit3A_429 = arith.constant 0.000000e+00 : f32
          %broadcast_in_dim3A_430 = vector.broadcast %jit3A_429 : f32 to vector<16xf32>
          %select_n3A_431 = arith.select %gt3A_428, %sub3A_424, %broadcast_in_dim3A_430 : vector<16xi1>, vector<16xf32>
          %gt3A_432 = arith.constant 0.000000e+00 : f32
          %gt3A_433 = vector.broadcast %gt3A_432 : f32 to vector<16xf32>
          %gt3A_434 = arith.cmpf ogt, %sub3A_425, %gt3A_433 : vector<16xf32>
          %jit3A_435 = arith.constant 0.000000e+00 : f32
          %broadcast_in_dim3A_436 = vector.broadcast %jit3A_435 : f32 to vector<16xf32>
          %select_n3A_437 = arith.select %gt3A_434, %sub3A_425, %broadcast_in_dim3A_436 : vector<16xi1>, vector<16xf32>
          %mul3A_438 = arith.mulf %select_n3A_431, %select_n3A_437 : vector<16xf32>
          %get3A_439 = arith.index_cast %add3A_405 : i32 to index
          %get3A_440 = tpu.vector_load %arg12[%get3A_439] {strides = array<i32>} : memref<1024xf32, #tpu.memory_space<vmem>>, vector<16xf32>,
          %add3A_441 = arith.addf %mul3A_327, %get3A_440 : vector<16xf32>
          %sub3A_442 = arith.subf %add3A_441, %mul3A_438 : vector<16xf32>
          %add3A_443 = arith.constant 1.000000e-07 : f32
          %add3A_444 = vector.broadcast %add3A_443 : f32 to vector<16xf32>
          %add3A_445 = arith.addf %sub3A_442, %add3A_444 : vector<16xf32>
          %div3A_446 = arith.divf %mul3A_438, %add3A_445 : vector<16xf32>
          %mul3A_447 = arith.mulf %div3A_446, %div3A_446 : vector<16xf32>
          %mul3A_448 = arith.constant -2.000000e+00 : f32
          %mul3A_449 = vector.broadcast %mul3A_448 : f32 to vector<16xf32>
          %mul3A_450 = arith.mulf %mul3A_447, %mul3A_449 : vector<16xf32>
          %exp3A_451 = math.exp %mul3A_450 : vector<16xf32>
          %ge3A_452 = arith.constant 0.000000e+00 : f32
          %ge3A_453 = vector.broadcast %ge3A_452 : f32 to vector<16xf32>
          %ge3A_454 = arith.cmpf oge, %get3A_407, %ge3A_453 : vector<16xf32>
          %mul3A_455 = arith.mulf %get3A_407, %exp3A_451 : vector<16xf32>
          %select_n3A_456 = arith.select %ge3A_454, %mul3A_455, %get3A_407 : vector<16xi1>, vector<16xf32>
          %swap3A_457 = arith.index_cast %add3A_405 : i32 to index
          %swap3A_458 = tpu.vector_load %arg13[%swap3A_457] {strides = array<i32>} : memref<1024xf32, #tpu.memory_space<vmem>>, vector<16xf32>,
          tpu.vector_store %arg13[%swap3A_457], %select_n3A_456 {strides = array<i32>} : memref<1024xf32, #tpu.memory_space<vmem>>, vector<16xf32>,
          %add3A_459 = vector.broadcast %add3A_405 : i32 to vector<16xi32>
          %add3A_460 = arith.addi %iota3A, %add3A_459 : vector<16xi32>
          %gt3A_461 = arith.cmpf ogt, %select_n3A_456, %select_n3A_402 : vector<16xf32>
          %gt3A_462 = arith.cmpf ogt, %select_n3A_456, %select_n3A_399 : vector<16xf32>
          %select_n3A_463 = arith.select %gt3A_462, %select_n3A_456, %select_n3A_399 : vector<16xi1>, vector<16xf32>
          %select_n3A_464 = arith.select %gt3A_461, %select_n3A_402, %select_n3A_463 : vector<16xi1>, vector<16xf32>
          %select_n3A_465 = arith.select %gt3A_462, %add3A_460, %select_n3A_401 : vector<16xi1>, vector<16xi32>
          %select_n3A_466 = arith.select %gt3A_461, %select_n3A_403, %select_n3A_465 : vector<16xi1>, vector<16xi32>
          %select_n3A_467 = arith.select %gt3A_461, %select_n3A_456, %select_n3A_402 : vector<16xi1>, vector<16xf32>
          %select_n3A_468 = arith.select %gt3A_461, %add3A_460, %select_n3A_403 : vector<16xi1>, vector<16xi32>
          %add3A_469 = arith.constant 32 : i32
          %add3A_470 = arith.addi %mul3A_2, %add3A_469 : i32
          %get3A_471 = arith.index_cast %add3A_470 : i32 to index
          %get3A_472 = tpu.vector_load %arg13[%get3A_471] {strides = array<i32>} : memref<1024xf32, #tpu.memory_space<vmem>>, vector<16xf32>,
          %get3A_473 = arith.index_cast %add3A_470 : i32 to index
          %get3A_474 = tpu.vector_load %arg8[%get3A_473] {strides = array<i32>} : memref<1024xf32, #tpu.memory_space<vmem>>, vector<16xf32>,
          %get3A_475 = arith.index_cast %add3A_470 : i32 to index
          %get3A_476 = tpu.vector_load %arg9[%get3A_475] {strides = array<i32>} : memref<1024xf32, #tpu.memory_space<vmem>>, vector<16xf32>,
          %get3A_477 = arith.index_cast %add3A_470 : i32 to index
          %get3A_478 = tpu.vector_load %arg10[%get3A_477] {strides = array<i32>} : memref<1024xf32, #tpu.memory_space<vmem>>, vector<16xf32>,
          %get3A_479 = arith.index_cast %add3A_470 : i32 to index
          %get3A_480 = tpu.vector_load %arg11[%get3A_479] {strides = array<i32>} : memref<1024xf32, #tpu.memory_space<vmem>>, vector<16xf32>,
          %gt3A_481 = arith.cmpf ogt, %while3A_311, %get3A_474 : vector<16xf32>
          %select_n3A_482 = arith.select %gt3A_481, %while3A_311, %get3A_474 : vector<16xi1>, vector<16xf32>
          %gt3A_483 = arith.cmpf ogt, %while3A_312, %get3A_476 : vector<16xf32>
          %select_n3A_484 = arith.select %gt3A_483, %while3A_312, %get3A_476 : vector<16xi1>, vector<16xf32>
          %lt3A_485 = arith.cmpf olt, %while3A_313, %get3A_478 : vector<16xf32>
          %select_n3A_486 = arith.select %lt3A_485, %while3A_313, %get3A_478 : vector<16xi1>, vector<16xf32>
          %lt3A_487 = arith.cmpf olt, %while3A_314, %get3A_480 : vector<16xf32>
          %select_n3A_488 = arith.select %lt3A_487, %while3A_314, %get3A_480 : vector<16xi1>, vector<16xf32>
          %sub3A_489 = arith.subf %select_n3A_486, %select_n3A_482 : vector<16xf32>
          %sub3A_490 = arith.subf %select_n3A_488, %select_n3A_484 : vector<16xf32>
          %gt3A_491 = arith.constant 0.000000e+00 : f32
          %gt3A_492 = vector.broadcast %gt3A_491 : f32 to vector<16xf32>
          %gt3A_493 = arith.cmpf ogt, %sub3A_489, %gt3A_492 : vector<16xf32>
          %jit3A_494 = arith.constant 0.000000e+00 : f32
          %broadcast_in_dim3A_495 = vector.broadcast %jit3A_494 : f32 to vector<16xf32>
          %select_n3A_496 = arith.select %gt3A_493, %sub3A_489, %broadcast_in_dim3A_495 : vector<16xi1>, vector<16xf32>
          %gt3A_497 = arith.constant 0.000000e+00 : f32
          %gt3A_498 = vector.broadcast %gt3A_497 : f32 to vector<16xf32>
          %gt3A_499 = arith.cmpf ogt, %sub3A_490, %gt3A_498 : vector<16xf32>
          %jit3A_500 = arith.constant 0.000000e+00 : f32
          %broadcast_in_dim3A_501 = vector.broadcast %jit3A_500 : f32 to vector<16xf32>
          %select_n3A_502 = arith.select %gt3A_499, %sub3A_490, %broadcast_in_dim3A_501 : vector<16xi1>, vector<16xf32>
          %mul3A_503 = arith.mulf %select_n3A_496, %select_n3A_502 : vector<16xf32>
          %get3A_504 = arith.index_cast %add3A_470 : i32 to index
          %get3A_505 = tpu.vector_load %arg12[%get3A_504] {strides = array<i32>} : memref<1024xf32, #tpu.memory_space<vmem>>, vector<16xf32>,
          %add3A_506 = arith.addf %mul3A_327, %get3A_505 : vector<16xf32>
          %sub3A_507 = arith.subf %add3A_506, %mul3A_503 : vector<16xf32>
          %add3A_508 = arith.constant 1.000000e-07 : f32
          %add3A_509 = vector.broadcast %add3A_508 : f32 to vector<16xf32>
          %add3A_510 = arith.addf %sub3A_507, %add3A_509 : vector<16xf32>
          %div3A_511 = arith.divf %mul3A_503, %add3A_510 : vector<16xf32>
          %mul3A_512 = arith.mulf %div3A_511, %div3A_511 : vector<16xf32>
          %mul3A_513 = arith.constant -2.000000e+00 : f32
          %mul3A_514 = vector.broadcast %mul3A_513 : f32 to vector<16xf32>
          %mul3A_515 = arith.mulf %mul3A_512, %mul3A_514 : vector<16xf32>
          %exp3A_516 = math.exp %mul3A_515 : vector<16xf32>
          %ge3A_517 = arith.constant 0.000000e+00 : f32
          %ge3A_518 = vector.broadcast %ge3A_517 : f32 to vector<16xf32>
          %ge3A_519 = arith.cmpf oge, %get3A_472, %ge3A_518 : vector<16xf32>
          %mul3A_520 = arith.mulf %get3A_472, %exp3A_516 : vector<16xf32>
          %select_n3A_521 = arith.select %ge3A_519, %mul3A_520, %get3A_472 : vector<16xi1>, vector<16xf32>
          %swap3A_522 = arith.index_cast %add3A_470 : i32 to index
          %swap3A_523 = tpu.vector_load %arg13[%swap3A_522] {strides = array<i32>} : memref<1024xf32, #tpu.memory_space<vmem>>, vector<16xf32>,
          tpu.vector_store %arg13[%swap3A_522], %select_n3A_521 {strides = array<i32>} : memref<1024xf32, #tpu.memory_space<vmem>>, vector<16xf32>,
          %add3A_524 = vector.broadcast %add3A_470 : i32 to vector<16xi32>
          %add3A_525 = arith.addi %iota3A, %add3A_524 : vector<16xi32>
          %gt3A_526 = arith.cmpf ogt, %select_n3A_521, %select_n3A_467 : vector<16xf32>
          %gt3A_527 = arith.cmpf ogt, %select_n3A_521, %select_n3A_464 : vector<16xf32>
          %select_n3A_528 = arith.select %gt3A_527, %select_n3A_521, %select_n3A_464 : vector<16xi1>, vector<16xf32>
          %select_n3A_529 = arith.select %gt3A_526, %select_n3A_467, %select_n3A_528 : vector<16xi1>, vector<16xf32>
          %select_n3A_530 = arith.select %gt3A_527, %add3A_525, %select_n3A_466 : vector<16xi1>, vector<16xi32>
          %select_n3A_531 = arith.select %gt3A_526, %select_n3A_468, %select_n3A_530 : vector<16xi1>, vector<16xi32>
          %select_n3A_532 = arith.select %gt3A_526, %select_n3A_521, %select_n3A_467 : vector<16xi1>, vector<16xf32>
          %select_n3A_533 = arith.select %gt3A_526, %add3A_525, %select_n3A_468 : vector<16xi1>, vector<16xi32>
          %add3A_534 = arith.constant 48 : i32
          %add3A_535 = arith.addi %mul3A_2, %add3A_534 : i32
          %get3A_536 = arith.index_cast %add3A_535 : i32 to index
          %get3A_537 = tpu.vector_load %arg13[%get3A_536] {strides = array<i32>} : memref<1024xf32, #tpu.memory_space<vmem>>, vector<16xf32>,
          %get3A_538 = arith.index_cast %add3A_535 : i32 to index
          %get3A_539 = tpu.vector_load %arg8[%get3A_538] {strides = array<i32>} : memref<1024xf32, #tpu.memory_space<vmem>>, vector<16xf32>,
          %get3A_540 = arith.index_cast %add3A_535 : i32 to index
          %get3A_541 = tpu.vector_load %arg9[%get3A_540] {strides = array<i32>} : memref<1024xf32, #tpu.memory_space<vmem>>, vector<16xf32>,
          %get3A_542 = arith.index_cast %add3A_535 : i32 to index
          %get3A_543 = tpu.vector_load %arg10[%get3A_542] {strides = array<i32>} : memref<1024xf32, #tpu.memory_space<vmem>>, vector<16xf32>,
          %get3A_544 = arith.index_cast %add3A_535 : i32 to index
          %get3A_545 = tpu.vector_load %arg11[%get3A_544] {strides = array<i32>} : memref<1024xf32, #tpu.memory_space<vmem>>, vector<16xf32>,
          %gt3A_546 = arith.cmpf ogt, %while3A_311, %get3A_539 : vector<16xf32>
          %select_n3A_547 = arith.select %gt3A_546, %while3A_311, %get3A_539 : vector<16xi1>, vector<16xf32>
          %gt3A_548 = arith.cmpf ogt, %while3A_312, %get3A_541 : vector<16xf32>
          %select_n3A_549 = arith.select %gt3A_548, %while3A_312, %get3A_541 : vector<16xi1>, vector<16xf32>
          %lt3A_550 = arith.cmpf olt, %while3A_313, %get3A_543 : vector<16xf32>
          %select_n3A_551 = arith.select %lt3A_550, %while3A_313, %get3A_543 : vector<16xi1>, vector<16xf32>
          %lt3A_552 = arith.cmpf olt, %while3A_314, %get3A_545 : vector<16xf32>
          %select_n3A_553 = arith.select %lt3A_552, %while3A_314, %get3A_545 : vector<16xi1>, vector<16xf32>
          %sub3A_554 = arith.subf %select_n3A_551, %select_n3A_547 : vector<16xf32>
          %sub3A_555 = arith.subf %select_n3A_553, %select_n3A_549 : vector<16xf32>
          %gt3A_556 = arith.constant 0.000000e+00 : f32
          %gt3A_557 = vector.broadcast %gt3A_556 : f32 to vector<16xf32>
          %gt3A_558 = arith.cmpf ogt, %sub3A_554, %gt3A_557 : vector<16xf32>
          %jit3A_559 = arith.constant 0.000000e+00 : f32
          %broadcast_in_dim3A_560 = vector.broadcast %jit3A_559 : f32 to vector<16xf32>
          %select_n3A_561 = arith.select %gt3A_558, %sub3A_554, %broadcast_in_dim3A_560 : vector<16xi1>, vector<16xf32>
          %gt3A_562 = arith.constant 0.000000e+00 : f32
          %gt3A_563 = vector.broadcast %gt3A_562 : f32 to vector<16xf32>
          %gt3A_564 = arith.cmpf ogt, %sub3A_555, %gt3A_563 : vector<16xf32>
          %jit3A_565 = arith.constant 0.000000e+00 : f32
          %broadcast_in_dim3A_566 = vector.broadcast %jit3A_565 : f32 to vector<16xf32>
          %select_n3A_567 = arith.select %gt3A_564, %sub3A_555, %broadcast_in_dim3A_566 : vector<16xi1>, vector<16xf32>
          %mul3A_568 = arith.mulf %select_n3A_561, %select_n3A_567 : vector<16xf32>
          %get3A_569 = arith.index_cast %add3A_535 : i32 to index
          %get3A_570 = tpu.vector_load %arg12[%get3A_569] {strides = array<i32>} : memref<1024xf32, #tpu.memory_space<vmem>>, vector<16xf32>,
          %add3A_571 = arith.addf %mul3A_327, %get3A_570 : vector<16xf32>
          %sub3A_572 = arith.subf %add3A_571, %mul3A_568 : vector<16xf32>
          %add3A_573 = arith.constant 1.000000e-07 : f32
          %add3A_574 = vector.broadcast %add3A_573 : f32 to vector<16xf32>
          %add3A_575 = arith.addf %sub3A_572, %add3A_574 : vector<16xf32>
          %div3A_576 = arith.divf %mul3A_568, %add3A_575 : vector<16xf32>
          %mul3A_577 = arith.mulf %div3A_576, %div3A_576 : vector<16xf32>
          %mul3A_578 = arith.constant -2.000000e+00 : f32
          %mul3A_579 = vector.broadcast %mul3A_578 : f32 to vector<16xf32>
          %mul3A_580 = arith.mulf %mul3A_577, %mul3A_579 : vector<16xf32>
          %exp3A_581 = math.exp %mul3A_580 : vector<16xf32>
          %ge3A_582 = arith.constant 0.000000e+00 : f32
          %ge3A_583 = vector.broadcast %ge3A_582 : f32 to vector<16xf32>
          %ge3A_584 = arith.cmpf oge, %get3A_537, %ge3A_583 : vector<16xf32>
          %mul3A_585 = arith.mulf %get3A_537, %exp3A_581 : vector<16xf32>
          %select_n3A_586 = arith.select %ge3A_584, %mul3A_585, %get3A_537 : vector<16xi1>, vector<16xf32>
          %swap3A_587 = arith.index_cast %add3A_535 : i32 to index
          %swap3A_588 = tpu.vector_load %arg13[%swap3A_587] {strides = array<i32>} : memref<1024xf32, #tpu.memory_space<vmem>>, vector<16xf32>,
          tpu.vector_store %arg13[%swap3A_587], %select_n3A_586 {strides = array<i32>} : memref<1024xf32, #tpu.memory_space<vmem>>, vector<16xf32>,
          %add3A_589 = vector.broadcast %add3A_535 : i32 to vector<16xi32>
          %add3A_590 = arith.addi %iota3A, %add3A_589 : vector<16xi32>
          %gt3A_591 = arith.cmpf ogt, %select_n3A_586, %select_n3A_532 : vector<16xf32>
          %gt3A_592 = arith.cmpf ogt, %select_n3A_586, %select_n3A_529 : vector<16xf32>
          %select_n3A_593 = arith.select %gt3A_592, %select_n3A_586, %select_n3A_529 : vector<16xi1>, vector<16xf32>
          %select_n3A_594 = arith.select %gt3A_591, %select_n3A_532, %select_n3A_593 : vector<16xi1>, vector<16xf32>
          %select_n3A_595 = arith.select %gt3A_592, %add3A_590, %select_n3A_531 : vector<16xi1>, vector<16xi32>
          %select_n3A_596 = arith.select %gt3A_591, %select_n3A_533, %select_n3A_595 : vector<16xi1>, vector<16xi32>
          %select_n3A_597 = arith.select %gt3A_591, %select_n3A_586, %select_n3A_532 : vector<16xi1>, vector<16xf32>
          %select_n3A_598 = arith.select %gt3A_591, %add3A_590, %select_n3A_533 : vector<16xi1>, vector<16xi32>
          %broadcast_in_dim3A_599 = arith.constant true
          %broadcast_in_dim3A_600 = vector.broadcast %broadcast_in_dim3A_599 : i1 to vector<16xi1>
          %masked_cummax3A_601 = tpu.scan <max>, %select_n3A_597 masked %broadcast_in_dim3A_600 : vector<16xf32>, vector<16xi1> -> vector<16xf32>
          %broadcast_in_dim3A_602 = vector.shape_cast %broadcast_in_dim3A_9 : vector<16xi32> to vector<16x1xi32>
          %gather3A_603 = vector.shape_cast %broadcast_in_dim3A_602 : vector<16x1xi32> to vector<16xi32>
          %gather3A_604 = tpu.dynamic_gather %masked_cummax3A_601[%gather3A_603] in [0] : vector<16xf32>, vector<16xi32> -> vector<16xf32>
          %eq3A_605 = arith.cmpf oeq, %select_n3A_597, %gather3A_604 : vector<16xf32>
          %jit3A_606 = arith.constant 2147483647 : i32
          %broadcast_in_dim3A_607 = vector.broadcast %jit3A_606 : i32 to vector<16xi32>
          %select_n3A_608 = arith.select %eq3A_605, %select_n3A_598, %broadcast_in_dim3A_607 : vector<16xi1>, vector<16xi32>
          %neg3A_609 = arith.constant 0 : i32
          %neg3A_610 = vector.broadcast %neg3A_609 : i32 to vector<16xi32>
          %neg3A_611 = arith.subi %neg3A_610, %select_n3A_608 : vector<16xi32>
          %broadcast_in_dim3A_612 = arith.constant true
          %broadcast_in_dim3A_613 = vector.broadcast %broadcast_in_dim3A_612 : i1 to vector<16xi1>
          %masked_cummax3A_614 = arith.constant -2147483648 : i32
          %masked_cummax3A_615 = vector.broadcast %masked_cummax3A_614 : i32 to vector<16xi32>
          %masked_cummax3A_616 = arith.xori %neg3A_611, %masked_cummax3A_615 : vector<16xi32>
          %masked_cummax3A_617 = tpu.scan <max>, %masked_cummax3A_616 masked %broadcast_in_dim3A_613 : vector<16xi32>, vector<16xi1> -> vector<16xi32>
          %masked_cummax3A_618 = arith.xori %masked_cummax3A_617, %masked_cummax3A_615 : vector<16xi32>
          %broadcast_in_dim3A_619 = vector.shape_cast %broadcast_in_dim3A_9 : vector<16xi32> to vector<16x1xi32>
          %gather3A_620 = vector.shape_cast %broadcast_in_dim3A_619 : vector<16x1xi32> to vector<16xi32>
          %gather3A_621 = tpu.dynamic_gather %masked_cummax3A_618[%gather3A_620] in [0] : vector<16xi32>, vector<16xi32> -> vector<16xi32>
          %neg3A_622 = arith.constant 0 : i32
          %neg3A_623 = vector.broadcast %neg3A_622 : i32 to vector<16xi32>
          %neg3A_624 = arith.subi %neg3A_623, %gather3A_621 : vector<16xi32>
          %eq3A_625 = arith.cmpi eq, %select_n3A_598, %neg3A_624 : vector<16xi32>
          %select_n3A_626 = arith.select %eq3A_625, %select_n3A_594, %select_n3A_597 : vector<16xi1>, vector<16xf32>
          %select_n3A_627 = arith.select %eq3A_625, %select_n3A_596, %select_n3A_598 : vector<16xi1>, vector<16xi32>
          %broadcast_in_dim3A_628 = arith.constant true
          %broadcast_in_dim3A_629 = vector.broadcast %broadcast_in_dim3A_628 : i1 to vector<16xi1>
          %masked_cummax3A_630 = tpu.scan <max>, %select_n3A_626 masked %broadcast_in_dim3A_629 : vector<16xf32>, vector<16xi1> -> vector<16xf32>
          %broadcast_in_dim3A_631 = vector.shape_cast %broadcast_in_dim3A_9 : vector<16xi32> to vector<16x1xi32>
          %gather3A_632 = vector.shape_cast %broadcast_in_dim3A_631 : vector<16x1xi32> to vector<16xi32>
          %gather3A_633 = tpu.dynamic_gather %masked_cummax3A_630[%gather3A_632] in [0] : vector<16xf32>, vector<16xi32> -> vector<16xf32>
          %eq3A_634 = arith.cmpf oeq, %select_n3A_626, %gather3A_633 : vector<16xf32>
          %jit3A_635 = arith.constant 2147483647 : i32
          %broadcast_in_dim3A_636 = vector.broadcast %jit3A_635 : i32 to vector<16xi32>
          %select_n3A_637 = arith.select %eq3A_634, %select_n3A_627, %broadcast_in_dim3A_636 : vector<16xi1>, vector<16xi32>
          %neg3A_638 = arith.constant 0 : i32
          %neg3A_639 = vector.broadcast %neg3A_638 : i32 to vector<16xi32>
          %neg3A_640 = arith.subi %neg3A_639, %select_n3A_637 : vector<16xi32>
          %broadcast_in_dim3A_641 = arith.constant true
          %broadcast_in_dim3A_642 = vector.broadcast %broadcast_in_dim3A_641 : i1 to vector<16xi1>
          %masked_cummax3A_643 = arith.constant -2147483648 : i32
          %masked_cummax3A_644 = vector.broadcast %masked_cummax3A_643 : i32 to vector<16xi32>
          %masked_cummax3A_645 = arith.xori %neg3A_640, %masked_cummax3A_644 : vector<16xi32>
          %masked_cummax3A_646 = tpu.scan <max>, %masked_cummax3A_645 masked %broadcast_in_dim3A_642 : vector<16xi32>, vector<16xi1> -> vector<16xi32>
          %masked_cummax3A_647 = arith.xori %masked_cummax3A_646, %masked_cummax3A_644 : vector<16xi32>
          %broadcast_in_dim3A_648 = vector.shape_cast %broadcast_in_dim3A_9 : vector<16xi32> to vector<16x1xi32>
          %gather3A_649 = vector.shape_cast %broadcast_in_dim3A_648 : vector<16x1xi32> to vector<16xi32>
          %gather3A_650 = tpu.dynamic_gather %masked_cummax3A_647[%gather3A_649] in [0] : vector<16xi32>, vector<16xi32> -> vector<16xi32>
          %neg3A_651 = arith.constant 0 : i32
          %neg3A_652 = vector.broadcast %neg3A_651 : i32 to vector<16xi32>
          %neg3A_653 = arith.subi %neg3A_652, %gather3A_650 : vector<16xi32>
          %eq3A_654 = arith.constant 1 : i32
          %eq3A_655 = vector.broadcast %eq3A_654 : i32 to vector<16xi32>
          %eq3A_656 = arith.cmpi eq, %iota3A, %eq3A_655 : vector<16xi32>
          %bitcast3A_657 = vector.bitcast %neg3A_624 : vector<16xi32> to vector<16xf32>
          %eq3A_658 = arith.constant 2 : i32
          %eq3A_659 = vector.broadcast %eq3A_658 : i32 to vector<16xi32>
          %eq3A_660 = arith.cmpi eq, %iota3A, %eq3A_659 : vector<16xi32>
          %bitcast3A_661 = vector.bitcast %neg3A_653 : vector<16xi32> to vector<16xf32>
          %select_n3A_662 = arith.select %eq3A_660, %gather3A_633, %bitcast3A_661 : vector<16xi1>, vector<16xf32>
          %select_n3A_663 = arith.select %eq3A_656, %bitcast3A_657, %select_n3A_662 : vector<16xi1>, vector<16xf32>
          %select_n3A_664 = arith.select %eq3A_5, %gather3A_604, %select_n3A_663 : vector<16xi1>, vector<16xf32>
          %swap3A_665 = arith.constant 0 : index
          %swap3A_666 = tpu.vector_load %arg15[%swap3A_665] {strides = array<i32>} : memref<16xf32, #tpu.memory_space<vmem>>, vector<16xf32>,
          tpu.vector_store %arg15[%swap3A_665], %select_n3A_664 {strides = array<i32>} : memref<16xf32, #tpu.memory_space<vmem>>, vector<16xf32>,
          %and3A = arith.constant 1 : i32
          %and3A_667 = arith.andi %while3A_322, %and3A : i32
          %mul3A_668 = arith.constant 8 : i32
          %mul3A_669 = arith.muli %arg1, %mul3A_668 : i32
          "tpu.region"() ({
            %run_scoped3A_781 = tpu.sem_alloc : memref<!tpu.dma_semaphore, #tpu.memory_space<semaphore_mem>>
            %dma_start3A = arith.constant 0 : i32
            %dma_start3A_782 = tpu.memref_slice %arg15[%dma_start3A] : memref<16xf32, #tpu.memory_space<vmem>> -> memref<8xf32, #tpu.memory_space<vmem>>
            %dma_start3A_783 = tpu.memref_slice %arg17[%and3A_667, %mul3A_669] : memref<2x128xf32, #tpu.memory_space<vmem_shared>> -> memref<1x8xf32, #tpu.memory_space<vmem_shared>>
            %dma_start3A_784 = tpu.memref_squeeze %dma_start3A_783 : memref<1x8xf32, #tpu.memory_space<vmem_shared>> -> memref<8xf32, #tpu.memory_space<vmem_shared>>
            %dma_start3A_785 = tpu.memref_slice %arg17[%and3A_667, %mul3A_669] : memref<2x128xf32, #tpu.memory_space<vmem_shared>> -> memref<1x8xf32, #tpu.memory_space<vmem_shared>>
            %dma_start3A_786 = tpu.memref_squeeze %dma_start3A_785 : memref<1x8xf32, #tpu.memory_space<vmem_shared>> -> memref<8xf32, #tpu.memory_space<vmem_shared>>
            %dma_start3A_787 = arith.constant 0 : i32
            %dma_start3A_788 = tpu.memref_slice %arg15[%dma_start3A_787] : memref<16xf32, #tpu.memory_space<vmem>> -> memref<8xf32, #tpu.memory_space<vmem>>
            tpu.enqueue_dma source(%dma_start3A_788 : memref<8xf32, #tpu.memory_space<vmem>>) target(%dma_start3A_786 : memref<8xf32, #tpu.memory_space<vmem_shared>>) target_semaphore(%run_scoped3A_781 : memref<!tpu.dma_semaphore, #tpu.memory_space<semaphore_mem>>)
            %dma_wait3A = arith.constant 0 : i32
            %dma_wait3A_789 = tpu.memref_slice %arg15[%dma_wait3A] : memref<16xf32, #tpu.memory_space<vmem>> -> memref<8xf32, #tpu.memory_space<vmem>>
            %dma_wait3A_790 = tpu.memref_slice %arg17[%and3A_667, %mul3A_669] : memref<2x128xf32, #tpu.memory_space<vmem_shared>> -> memref<1x8xf32, #tpu.memory_space<vmem_shared>>
            %dma_wait3A_791 = tpu.memref_squeeze %dma_wait3A_790 : memref<1x8xf32, #tpu.memory_space<vmem_shared>> -> memref<8xf32, #tpu.memory_space<vmem_shared>>
            %dma_wait3A_792 = tpu.memref_slice %arg17[%and3A_667, %mul3A_669] : memref<2x128xf32, #tpu.memory_space<vmem_shared>> -> memref<1x8xf32, #tpu.memory_space<vmem_shared>>
            %dma_wait3A_793 = tpu.memref_squeeze %dma_wait3A_792 : memref<1x8xf32, #tpu.memory_space<vmem_shared>> -> memref<8xf32, #tpu.memory_space<vmem_shared>>
            %dma_wait3A_794 = arith.constant 0 : i32
            %dma_wait3A_795 = tpu.memref_slice %arg15[%dma_wait3A_794] : memref<16xf32, #tpu.memory_space<vmem>> -> memref<8xf32, #tpu.memory_space<vmem>>
            tpu.wait_dma2 semaphore(%run_scoped3A_781 : memref<!tpu.dma_semaphore, #tpu.memory_space<semaphore_mem>>) src(%dma_wait3A_795 : memref<8xf32, #tpu.memory_space<vmem>>) dst(%dma_wait3A_793 : memref<8xf32, #tpu.memory_space<vmem_shared>>)
            tpu.yield
          }) : () -> ()
          %barrier3A_670 = arith.constant 0 : index
          tpu.barrier barrier_id(%barrier3A_670)
          %and3A_671 = arith.constant 1 : i32
          %and3A_672 = arith.andi %while3A_322, %and3A_671 : i32
          "tpu.region"() ({
            %run_scoped3A_781 = tpu.sem_alloc : memref<!tpu.dma_semaphore, #tpu.memory_space<semaphore_mem>>
            %dma_start3A = arith.constant 0 : i32
            %dma_start3A_782 = tpu.memref_slice %arg17[%and3A_672, %dma_start3A] : memref<2x128xf32, #tpu.memory_space<vmem_shared>> -> memref<1x128xf32, #tpu.memory_space<vmem_shared>>
            %dma_start3A_783 = tpu.memref_squeeze %dma_start3A_782 : memref<1x128xf32, #tpu.memory_space<vmem_shared>> -> memref<128xf32, #tpu.memory_space<vmem_shared>>
            %dma_start3A_784 = arith.constant 0 : i32
            %dma_start3A_785 = tpu.memref_slice %arg17[%and3A_672, %dma_start3A_784] : memref<2x128xf32, #tpu.memory_space<vmem_shared>> -> memref<1x128xf32, #tpu.memory_space<vmem_shared>>
            %dma_start3A_786 = tpu.memref_squeeze %dma_start3A_785 : memref<1x128xf32, #tpu.memory_space<vmem_shared>> -> memref<128xf32, #tpu.memory_space<vmem_shared>>
            tpu.enqueue_dma source(%dma_start3A_786 : memref<128xf32, #tpu.memory_space<vmem_shared>>) target(%arg16 : memref<128xf32, #tpu.memory_space<vmem>>) target_semaphore(%run_scoped3A_781 : memref<!tpu.dma_semaphore, #tpu.memory_space<semaphore_mem>>)
            %dma_wait3A = arith.constant 0 : i32
            %dma_wait3A_787 = tpu.memref_slice %arg17[%and3A_672, %dma_wait3A] : memref<2x128xf32, #tpu.memory_space<vmem_shared>> -> memref<1x128xf32, #tpu.memory_space<vmem_shared>>
            %dma_wait3A_788 = tpu.memref_squeeze %dma_wait3A_787 : memref<1x128xf32, #tpu.memory_space<vmem_shared>> -> memref<128xf32, #tpu.memory_space<vmem_shared>>
            %dma_wait3A_789 = arith.constant 0 : i32
            %dma_wait3A_790 = tpu.memref_slice %arg17[%and3A_672, %dma_wait3A_789] : memref<2x128xf32, #tpu.memory_space<vmem_shared>> -> memref<1x128xf32, #tpu.memory_space<vmem_shared>>
            %dma_wait3A_791 = tpu.memref_squeeze %dma_wait3A_790 : memref<1x128xf32, #tpu.memory_space<vmem_shared>> -> memref<128xf32, #tpu.memory_space<vmem_shared>>
            tpu.wait_dma2 semaphore(%run_scoped3A_781 : memref<!tpu.dma_semaphore, #tpu.memory_space<semaphore_mem>>) src(%dma_wait3A_791 : memref<128xf32, #tpu.memory_space<vmem_shared>>) dst(%arg16 : memref<128xf32, #tpu.memory_space<vmem>>)
            tpu.yield
          }) : () -> ()
          %gather3A_673 = tpu.vector_load_idx %arg16[%mul3A_8] : memref<128xf32, #tpu.memory_space<vmem>>[vector<16xi32>], vector<16xf32>,
          %add3A_674 = arith.constant 1 : i32
          %add3A_675 = vector.broadcast %add3A_674 : i32 to vector<16xi32>
          %add3A_676 = arith.addi %mul3A_8, %add3A_675 : vector<16xi32>
          %gather3A_677 = tpu.vector_load_idx %arg16[%add3A_676] : memref<128xf32, #tpu.memory_space<vmem>>[vector<16xi32>], vector<16xf32>,
          %bitcast3A_678 = vector.bitcast %gather3A_677 : vector<16xf32> to vector<16xi32>
          %add3A_679 = arith.constant 2 : i32
          %add3A_680 = vector.broadcast %add3A_679 : i32 to vector<16xi32>
          %add3A_681 = arith.addi %mul3A_8, %add3A_680 : vector<16xi32>
          %gather3A_682 = tpu.vector_load_idx %arg16[%add3A_681] : memref<128xf32, #tpu.memory_space<vmem>>[vector<16xi32>], vector<16xf32>,
          %add3A_683 = arith.constant 3 : i32
          %add3A_684 = vector.broadcast %add3A_683 : i32 to vector<16xi32>
          %add3A_685 = arith.addi %mul3A_8, %add3A_684 : vector<16xi32>
          %gather3A_686 = tpu.vector_load_idx %arg16[%add3A_685] : memref<128xf32, #tpu.memory_space<vmem>>[vector<16xi32>], vector<16xf32>,
          %bitcast3A_687 = vector.bitcast %gather3A_686 : vector<16xf32> to vector<16xi32>
          %broadcast_in_dim3A_688 = arith.constant true
          %broadcast_in_dim3A_689 = vector.broadcast %broadcast_in_dim3A_688 : i1 to vector<16xi1>
          %masked_cummax3A_690 = tpu.scan <max>, %gather3A_673 masked %broadcast_in_dim3A_689 : vector<16xf32>, vector<16xi1> -> vector<16xf32>
          %broadcast_in_dim3A_691 = vector.shape_cast %broadcast_in_dim3A_9 : vector<16xi32> to vector<16x1xi32>
          %gather3A_692 = vector.shape_cast %broadcast_in_dim3A_691 : vector<16x1xi32> to vector<16xi32>
          %gather3A_693 = tpu.dynamic_gather %masked_cummax3A_690[%gather3A_692] in [0] : vector<16xf32>, vector<16xi32> -> vector<16xf32>
          %eq3A_694 = arith.cmpf oeq, %gather3A_673, %gather3A_693 : vector<16xf32>
          %jit3A_695 = arith.constant 2147483647 : i32
          %broadcast_in_dim3A_696 = vector.broadcast %jit3A_695 : i32 to vector<16xi32>
          %select_n3A_697 = arith.select %eq3A_694, %bitcast3A_678, %broadcast_in_dim3A_696 : vector<16xi1>, vector<16xi32>
          %neg3A_698 = arith.constant 0 : i32
          %neg3A_699 = vector.broadcast %neg3A_698 : i32 to vector<16xi32>
          %neg3A_700 = arith.subi %neg3A_699, %select_n3A_697 : vector<16xi32>
          %broadcast_in_dim3A_701 = arith.constant true
          %broadcast_in_dim3A_702 = vector.broadcast %broadcast_in_dim3A_701 : i1 to vector<16xi1>
          %masked_cummax3A_703 = arith.constant -2147483648 : i32
          %masked_cummax3A_704 = vector.broadcast %masked_cummax3A_703 : i32 to vector<16xi32>
          %masked_cummax3A_705 = arith.xori %neg3A_700, %masked_cummax3A_704 : vector<16xi32>
          %masked_cummax3A_706 = tpu.scan <max>, %masked_cummax3A_705 masked %broadcast_in_dim3A_702 : vector<16xi32>, vector<16xi1> -> vector<16xi32>
          %masked_cummax3A_707 = arith.xori %masked_cummax3A_706, %masked_cummax3A_704 : vector<16xi32>
          %broadcast_in_dim3A_708 = vector.shape_cast %broadcast_in_dim3A_9 : vector<16xi32> to vector<16x1xi32>
          %gather3A_709 = vector.shape_cast %broadcast_in_dim3A_708 : vector<16x1xi32> to vector<16xi32>
          %gather3A_710 = tpu.dynamic_gather %masked_cummax3A_707[%gather3A_709] in [0] : vector<16xi32>, vector<16xi32> -> vector<16xi32>
          %neg3A_711 = arith.constant 0 : i32
          %neg3A_712 = vector.broadcast %neg3A_711 : i32 to vector<16xi32>
          %neg3A_713 = arith.subi %neg3A_712, %gather3A_710 : vector<16xi32>
          %eq3A_714 = arith.cmpi eq, %bitcast3A_678, %neg3A_713 : vector<16xi32>
          %select_n3A_715 = arith.select %eq3A_714, %gather3A_682, %gather3A_673 : vector<16xi1>, vector<16xf32>
          %select_n3A_716 = arith.select %eq3A_714, %bitcast3A_687, %bitcast3A_678 : vector<16xi1>, vector<16xi32>
          %broadcast_in_dim3A_717 = arith.constant true
          %broadcast_in_dim3A_718 = vector.broadcast %broadcast_in_dim3A_717 : i1 to vector<16xi1>
          %masked_cummax3A_719 = tpu.scan <max>, %select_n3A_715 masked %broadcast_in_dim3A_718 : vector<16xf32>, vector<16xi1> -> vector<16xf32>
          %broadcast_in_dim3A_720 = vector.shape_cast %broadcast_in_dim3A_9 : vector<16xi32> to vector<16x1xi32>
          %gather3A_721 = vector.shape_cast %broadcast_in_dim3A_720 : vector<16x1xi32> to vector<16xi32>
          %gather3A_722 = tpu.dynamic_gather %masked_cummax3A_719[%gather3A_721] in [0] : vector<16xf32>, vector<16xi32> -> vector<16xf32>
          %eq3A_723 = arith.cmpf oeq, %select_n3A_715, %gather3A_722 : vector<16xf32>
          %jit3A_724 = arith.constant 2147483647 : i32
          %broadcast_in_dim3A_725 = vector.broadcast %jit3A_724 : i32 to vector<16xi32>
          %select_n3A_726 = arith.select %eq3A_723, %select_n3A_716, %broadcast_in_dim3A_725 : vector<16xi1>, vector<16xi32>
          %neg3A_727 = arith.constant 0 : i32
          %neg3A_728 = vector.broadcast %neg3A_727 : i32 to vector<16xi32>
          %neg3A_729 = arith.subi %neg3A_728, %select_n3A_726 : vector<16xi32>
          %broadcast_in_dim3A_730 = arith.constant true
          %broadcast_in_dim3A_731 = vector.broadcast %broadcast_in_dim3A_730 : i1 to vector<16xi1>
          %masked_cummax3A_732 = arith.constant -2147483648 : i32
          %masked_cummax3A_733 = vector.broadcast %masked_cummax3A_732 : i32 to vector<16xi32>
          %masked_cummax3A_734 = arith.xori %neg3A_729, %masked_cummax3A_733 : vector<16xi32>
          %masked_cummax3A_735 = tpu.scan <max>, %masked_cummax3A_734 masked %broadcast_in_dim3A_731 : vector<16xi32>, vector<16xi1> -> vector<16xi32>
          %masked_cummax3A_736 = arith.xori %masked_cummax3A_735, %masked_cummax3A_733 : vector<16xi32>
          %broadcast_in_dim3A_737 = vector.shape_cast %broadcast_in_dim3A_9 : vector<16xi32> to vector<16x1xi32>
          %gather3A_738 = vector.shape_cast %broadcast_in_dim3A_737 : vector<16x1xi32> to vector<16xi32>
          %gather3A_739 = tpu.dynamic_gather %masked_cummax3A_736[%gather3A_738] in [0] : vector<16xi32>, vector<16xi32> -> vector<16xi32>
          %neg3A_740 = arith.constant 0 : i32
          %neg3A_741 = vector.broadcast %neg3A_740 : i32 to vector<16xi32>
          %neg3A_742 = arith.subi %neg3A_741, %gather3A_739 : vector<16xi32>
          %gather3A_743 = tpu.vector_load_idx %arg8[%neg3A_713] : memref<1024xf32, #tpu.memory_space<vmem>>[vector<16xi32>], vector<16xf32>,
          %gather3A_744 = tpu.vector_load_idx %arg9[%neg3A_713] : memref<1024xf32, #tpu.memory_space<vmem>>[vector<16xi32>], vector<16xf32>,
          %gather3A_745 = tpu.vector_load_idx %arg10[%neg3A_713] : memref<1024xf32, #tpu.memory_space<vmem>>[vector<16xi32>], vector<16xf32>,
          %gather3A_746 = tpu.vector_load_idx %arg11[%neg3A_713] : memref<1024xf32, #tpu.memory_space<vmem>>[vector<16xi32>], vector<16xf32>,
          %gather3A_747 = tpu.vector_load_idx %arg8[%neg3A_742] : memref<1024xf32, #tpu.memory_space<vmem>>[vector<16xi32>], vector<16xf32>,
          %gather3A_748 = tpu.vector_load_idx %arg9[%neg3A_742] : memref<1024xf32, #tpu.memory_space<vmem>>[vector<16xi32>], vector<16xf32>,
          %gather3A_749 = tpu.vector_load_idx %arg10[%neg3A_742] : memref<1024xf32, #tpu.memory_space<vmem>>[vector<16xi32>], vector<16xf32>,
          %gather3A_750 = tpu.vector_load_idx %arg11[%neg3A_742] : memref<1024xf32, #tpu.memory_space<vmem>>[vector<16xi32>], vector<16xf32>,
          %lt3A_751 = arith.cmpf olt, %gather3A_745, %gather3A_749 : vector<16xf32>
          %select_n3A_752 = arith.select %lt3A_751, %gather3A_745, %gather3A_749 : vector<16xi1>, vector<16xf32>
          %gt3A_753 = arith.cmpf ogt, %gather3A_743, %gather3A_747 : vector<16xf32>
          %select_n3A_754 = arith.select %gt3A_753, %gather3A_743, %gather3A_747 : vector<16xi1>, vector<16xf32>
          %sub3A_755 = arith.subf %select_n3A_752, %select_n3A_754 : vector<16xf32>
          %lt3A_756 = arith.cmpf olt, %gather3A_746, %gather3A_750 : vector<16xf32>
          %select_n3A_757 = arith.select %lt3A_756, %gather3A_746, %gather3A_750 : vector<16xi1>, vector<16xf32>
          %gt3A_758 = arith.cmpf ogt, %gather3A_744, %gather3A_748 : vector<16xf32>
          %select_n3A_759 = arith.select %gt3A_758, %gather3A_744, %gather3A_748 : vector<16xi1>, vector<16xf32>
          %sub3A_760 = arith.subf %select_n3A_757, %select_n3A_759 : vector<16xf32>
          %le3A_761 = arith.constant 0.000000e+00 : f32
          %le3A_762 = vector.broadcast %le3A_761 : f32 to vector<16xf32>
          %le3A_763 = arith.cmpf ole, %sub3A_755, %le3A_762 : vector<16xf32>
          %le3A_764 = arith.constant 0.000000e+00 : f32
          %le3A_765 = vector.broadcast %le3A_764 : f32 to vector<16xf32>
          %le3A_766 = arith.cmpf ole, %sub3A_760, %le3A_765 : vector<16xf32>
          %or3A_767 = arith.ori %le3A_763, %le3A_766 : vector<16xi1>
          %reduce_or3A_768 = arith.constant 1.000000e+00 : f32
          %reduce_or3A_769 = arith.constant 0.000000e+00 : f32
          %reduce_or3A_770 = vector.broadcast %reduce_or3A_768 : f32 to vector<16xf32>
          %reduce_or3A_771 = vector.broadcast %reduce_or3A_769 : f32 to vector<16xf32>
          %reduce_or3A_772 = arith.select %or3A_767, %reduce_or3A_770, %reduce_or3A_771 : vector<16xi1>, vector<16xf32>
          %reduce_or3A_773 = arith.constant true
          %reduce_or3A_774 = vector.broadcast %reduce_or3A_773 : i1 to vector<16xi1>
          %reduce_or3A_775 = tpu.scan <max>, %reduce_or3A_772 masked %reduce_or3A_774 : vector<16xf32>, vector<16xi1> -> vector<16xf32>
          %reduce_or3A_776 = vector.extract %reduce_or3A_775[15] : f32 from vector<16xf32>
          %reduce_or3A_777 = arith.constant 0.000000e+00 : f32
          %reduce_or3A_778 = arith.cmpf ogt, %reduce_or3A_776, %reduce_or3A_777 : f32
          %add3A_779 = arith.constant 1 : i32
          %add3A_780 = arith.addi %while3A_322, %add3A_779 : i32
          scf.yield %neg3A_713, %gather3A_693, %gather3A_743, %gather3A_744, %gather3A_745, %gather3A_746, %neg3A_742, %gather3A_722, %gather3A_747, %gather3A_748, %gather3A_749, %gather3A_750, %reduce_or3A_778, %add3A_780 : vector<16xi32>, vector<16xf32>, vector<16xf32>, vector<16xf32>, vector<16xf32>, vector<16xf32>, vector<16xi32>, vector<16xf32>, vector<16xf32>, vector<16xf32>, vector<16xf32>, vector<16xf32>, i1, i32
        }
        scf.yield %add3A_329, %cond3A_333#0, %cond3A_333#1, %cond3A_333#2, %cond3A_333#3, %cond3A_333#4, %cond3A_333#5, %cond3A_333#6, %cond3A_333#7, %cond3A_333#8, %cond3A_333#9, %cond3A_333#10, %cond3A_333#11, %cond3A_333#12, %cond3A_333#13 : i32, vector<16xi32>, vector<16xf32>, vector<16xf32>, vector<16xf32>, vector<16xf32>, vector<16xf32>, vector<16xi32>, vector<16xf32>, vector<16xf32>, vector<16xf32>, vector<16xf32>, vector<16xf32>, i1, i32
      }
      "tpu.region"() ({
        %run_scoped3A_308 = tpu.sem_alloc : memref<!tpu.dma_semaphore, #tpu.memory_space<semaphore_mem>>
        %dma_start3A = tpu.memref_slice %arg14[%mul3A_2] : memref<1024xf32, #tpu.memory_space<vmem>> -> memref<64xf32, #tpu.memory_space<vmem>>
        %dma_start3A_309 = tpu.memref_slice %arg7[%mul3A_2] : memref<1024xf32, #tpu.memory_space<hbm>> -> memref<64xf32, #tpu.memory_space<hbm>>
        %dma_start3A_310 = tpu.memref_slice %arg7[%mul3A_2] : memref<1024xf32, #tpu.memory_space<hbm>> -> memref<64xf32, #tpu.memory_space<hbm>>
        %dma_start3A_311 = tpu.memref_slice %arg14[%mul3A_2] : memref<1024xf32, #tpu.memory_space<vmem>> -> memref<64xf32, #tpu.memory_space<vmem>>
        tpu.enqueue_dma source(%dma_start3A_311 : memref<64xf32, #tpu.memory_space<vmem>>) target(%dma_start3A_310 : memref<64xf32, #tpu.memory_space<hbm>>) target_semaphore(%run_scoped3A_308 : memref<!tpu.dma_semaphore, #tpu.memory_space<semaphore_mem>>)
        %dma_wait3A = tpu.memref_slice %arg14[%mul3A_2] : memref<1024xf32, #tpu.memory_space<vmem>> -> memref<64xf32, #tpu.memory_space<vmem>>
        %dma_wait3A_312 = tpu.memref_slice %arg7[%mul3A_2] : memref<1024xf32, #tpu.memory_space<hbm>> -> memref<64xf32, #tpu.memory_space<hbm>>
        %dma_wait3A_313 = tpu.memref_slice %arg7[%mul3A_2] : memref<1024xf32, #tpu.memory_space<hbm>> -> memref<64xf32, #tpu.memory_space<hbm>>
        %dma_wait3A_314 = tpu.memref_slice %arg14[%mul3A_2] : memref<1024xf32, #tpu.memory_space<vmem>> -> memref<64xf32, #tpu.memory_space<vmem>>
        tpu.wait_dma2 semaphore(%run_scoped3A_308 : memref<!tpu.dma_semaphore, #tpu.memory_space<semaphore_mem>>) src(%dma_wait3A_314 : memref<64xf32, #tpu.memory_space<vmem>>) dst(%dma_wait3A_313 : memref<64xf32, #tpu.memory_space<hbm>>)
        tpu.yield
      }) : () -> ()
    } else {
    }
    return
  }
}

</mosaic_0001>

<sc_bundles>
// kernel: kernel.3.cloned.1.call-start
scs
__scs_entry_jumppad:
0x0: {  	(pc) =	sbr.rel $0x88, $3  }
0x1: {  	(tag) =	ssettag $0x0;
	lr =	simm.s32 $0x1  }
0x2: {  	[smem:$0x3F9F] =	sst lr;
	_ =	strace $0xD0000000  }
0x3: {  	_ = 	snop  }
0x4: {  	_ = 	snop  }
0x5: {  	_ = 	snop  }
0x6: {  	_ = 	snop  }
0x7: {  	_ = 	snop  }
__scs_overlays_trampoline_lowered:
0x8: {  	[smem:$0x3FAE] =	sst s0  }
0x9: {  	[smem:$0x3FAF] =	sst s1  }
0xa: {  	[smem:$0x3FB0] =	sst s2  }
0xb: {  	[smem:$0x3FB1] =	sst s3  }
0xc: {  	[smem:$0x3FB2] =	sst s4  }
0xd: {  	[smem:$0x3FB3] =	sst s5  }
0xe: {  	[smem:$0x3FB4] =	sst s6  }
0xf: {  	[smem:$0x3FB5] =	sst s7  }
0x10: {  	[smem:$0x3FB6] =	sst s8  }
0x11: {  	[smem:$0x3FB7] =	sst s9;
	s0 =	simm.s32 @!p0 $0x0  }
0x12: {  	s1 =	sld [smem:$0x3F9D];
	s0 =	simm.s32 @p0 $0x1  }
0x13: {  	[smem:$0x3FB8] =	sst s0;
	s0 =	simm.s32 @!p1 $0x0  }
0x14: {  	s2 =	sld [smem:$0x3F9C];
	s0 =	simm.s32 @p1 $0x1  }
0x15: {  	[smem:$0x3FB9] =	sst s0;
	s0 =	simm.s32 @!p2 $0x0  }
0x16: {  	s3 =	sld [smem:$0x3FDB];
	s0 =	simm.s32 @p2 $0x1  }
0x17: {  	s4 =	simm.s32 $0x1BF5;
	[smem:$0x3FBB] =	sst s0  }
0x18: {  	s0 =	sld [smem:$0x3F9E];
	_ =	swait.ge [sflag:s4], $0x0  }
0x19: {  	s7 =	sld [smem:$0x3F9F]  }
0x1a: {  	s8 =	sadd.s32 $0xFFFFE003, lr  }
0x1b: {  	s9 =	sadd.s32 $0xFFFFFEF7, lr;
	s5 =	simm.s32 $0xFFFFFFFF;
	p2 =	slt.u32 s8, $0xFFFFF086  }
0x1c: {  	p1 =	slt.u32 s9, $0xF7A;
	s5 =	simm.s32 @!p2 $0x0  }
0x1d: {  	s5 =	simm.s32 @p1 $0x1;
	p0 =	seq.s32 s7, s2  }
0x1e: {  	s7 =	smul.u32 @!p0 $0xF7A, s2;
	p2 =	seq.s32 @!p0 s5, $0x0  }
0x1f: {  	s9 =	smul.u32 $0xF7A, s1;
	s8 =	simm.s32 @!p0 $0x1BF5;
	p2 =	por !p2, p0  }
0x20: {  	[sflag:s8] =	ssyncset.s32 @!p0 $0xFFFFF086;
	s6 =	sadd.s32 @!p0 s3, s7;
	s7 =	simm.s32 @!p0 $0x108  }
0x21: {  	s3 =	sadd.s32 s3, s9;
	s6 =	sadd.s32 @!p0 $0x88, s6;
	s7 =	simm.s32 @p2 $0x1082  }
0x22: {  	[simem:s7], [sflag:s8] =	dma.local @!p0 [hbm:s6], $0xF7A  }
0x23: {  	s9 =	sor.u32 $0xD0000000, s2;
	s6 =	simm.s32 $0x108;
	_ =	swait.ge @!p0 [sflag:s8], $0x0  }
0x24: {  	s3 =	sadd.s32 $0x88, s3;
	s6 =	simm.s32 @!p1 $0x1082;
	[sflag:s4] =	ssyncset.s32 $0xFFFFF086  }
0x25: {  	[simem:s6], [sflag:s4] =	dma.local [hbm:s3], $0xF7A  }
0x26: {  	[smem:$0x3F9F] =	sst s1;
	(tag) =	ssettag s2;
	_ =	strace s9  }
0x27: {  	s1 =	sld [smem:$0x3FAF]  }
0x28: {  	s2 =	sld [smem:$0x3FB0]  }
0x29: {  	s4 =	sld [smem:$0x3FB2]  }
0x2a: {  	p0 =	seq.s32 s5, $0x0;
	s5 =	sld [smem:$0x3FB3]  }
0x2b: {  	s6 =	sld [smem:$0x3FB4]  }
0x2c: {  	s7 =	sld [smem:$0x3FB5]  }
0x2d: {  	s3 =	simm.s32 $0x108;
	s8 =	sld [smem:$0x3FB6]  }
0x2e: {  	s3 =	simm.s32 @!p0 $0x1082;
	s9 =	sld [smem:$0x3FB7]  }
0x2f: {  	lr =	sadd.s32 s0, s3;
	s0 =	sld [smem:$0x3FAE]  }
0x30: {  	s3 =	sld [smem:$0x3FB1]  }
0x31: {  	[smem:$0x3FBA] =	sst s10  }
0x32: {  	s10 =	sld [smem:$0x3FB8];
	_ =	sdelay $0x3  }
0x33: {  	p0 =	seq.s32 s10, $0x1;
	s10 =	sld [smem:$0x3FBA];
	_ =	sdelay $0x3  }
0x34: {  	[smem:$0x3FBA] =	sst s10  }
0x35: {  	s10 =	sld [smem:$0x3FB9];
	_ =	sdelay $0x3  }
0x36: {  	p1 =	seq.s32 s10, $0x1;
	s10 =	sld [smem:$0x3FBA];
	_ =	sdelay $0x3  }
0x37: {  	[smem:$0x3FBA] =	sst s10  }
0x38: {  	s10 =	sld [smem:$0x3FBB]  }
0x39: {  	_ = 	snop;
	(pc) =	sbr.ind lr, $3  }
0x3a: {  	_ = 	snop  }
0x3b: {  	_ = 	snop  }
0x3c: {  	p2 =	seq.s32 s10, $0x1;
	s10 =	sld [smem:$0x3FBA]  }
0x3d: {  	_ =	shalt  }
0x3e: {  	_ =	shalt  }
0x3f: {  	_ =	shalt  }
0x40: {  	_ =	shalt  }
0x41: {  	_ =	shalt  }
0x42: {  	_ =	shalt  }
0x43: {  	_ =	shalt  }
0x44: {  	_ =	shalt  }
0x45: {  	_ =	shalt  }
0x46: {  	_ =	shalt  }
0x47: {  	_ =	shalt  }
0x48: {  	_ =	shalt  }
0x49: {  	_ =	shalt  }
0x4a: {  	_ =	shalt  }
0x4b: {  	_ =	shalt  }
0x4c: {  	_ =	shalt  }
0x4d: {  	_ =	shalt  }
0x4e: {  	_ =	shalt  }
0x4f: {  	_ =	shalt  }
0x50: {  	_ =	shalt  }
0x51: {  	_ =	shalt  }
0x52: {  	_ =	shalt  }
0x53: {  	_ =	shalt  }
0x54: {  	_ =	shalt  }
0x55: {  	_ =	shalt  }
0x56: {  	_ =	shalt  }
0x57: {  	_ =	shalt  }
0x58: {  	_ =	shalt  }
0x59: {  	_ =	shalt  }
0x5a: {  	_ =	shalt  }
0x5b: {  	_ =	shalt  }
0x5c: {  	_ =	shalt  }
0x5d: {  	_ =	shalt  }
0x5e: {  	_ =	shalt  }
0x5f: {  	_ =	shalt  }
0x60: {  	_ =	shalt  }
0x61: {  	_ =	shalt  }
0x62: {  	_ =	shalt  }
0x63: {  	_ =	shalt  }
0x64: {  	_ =	shalt  }
0x65: {  	_ =	shalt  }
0x66: {  	_ =	shalt  }
0x67: {  	_ =	shalt  }
0x68: {  	_ =	shalt  }
0x69: {  	_ =	shalt  }
0x6a: {  	_ =	shalt  }
0x6b: {  	_ =	shalt  }
0x6c: {  	_ =	shalt  }
0x6d: {  	_ =	shalt  }
0x6e: {  	_ =	shalt  }
0x6f: {  	_ =	shalt  }
0x70: {  	_ =	shalt  }
0x71: {  	_ =	shalt  }
0x72: {  	_ =	shalt  }
0x73: {  	_ =	shalt  }
0x74: {  	_ =	shalt  }
0x75: {  	_ =	shalt  }
0x76: {  	_ =	shalt  }
0x77: {  	_ =	shalt  }
0x78: {  	_ =	shalt  }
0x79: {  	_ =	shalt  }
0x7a: {  	_ =	shalt  }
0x7b: {  	_ =	shalt  }
0x7c: {  	_ =	shalt  }
0x7d: {  	_ =	shalt  }
0x7e: {  	_ =	shalt  }
0x7f: {  	_ =	shalt  }
0x80: {  	_ =	shalt  }
0x81: {  	_ =	shalt  }
0x82: {  	_ =	shalt  }
0x83: {  	_ =	shalt  }
0x84: {  	_ =	shalt  }
0x85: {  	_ =	shalt  }
0x86: {  	_ =	shalt  }
0x87: {  	_ =	shalt  }
.Lfunc_end0:
.L_simem_size_0:
called_computation_lowered:
.L_overlay_start_0:
0x88: {  	s2 =	sld [smem:$0x3FD9]  }
0x89: {  	s3 =	sld [smem:$0x3FFE];
	_ =	sdelay $0x1  }
0x8a: {  	s1 =	srdreg.scid  }
0x8b: {  	s0 =	sand.u32 $0x1, s1  }
0x8c: {  	s17 =	sshll.u32 s0, $0xA;
	s2 =	sadd.s32 s3, s2  }
0x8d: {  	s2 =	sadd.s32 s2, s17  }
0x8e: {  	[smem:$0x3FC6] =	sst s2  }
0x8f: {  	_ = 	snop  }
0x90: {  	s2 =	sld [smem:$0x3FD0];
	(tm) =	ssettm $0x1  }
0x91: {  	s18 =	sld [smem:$0x3FFB];
	_ =	sdelay $0x3  }
0x92: {  	_ =	strace s18  }
0x93: {  	s3 =	sld [smem:$0x3FFC];
	_ =	sdelay $0x3  }
0x94: {  	_ =	strace s3  }
0x95: {  	s3 =	sld [smem:$0x3FFD];
	_ =	sdelay $0x3  }
0x96: {  	_ =	strace s3  }
0x97: {  	_ =	strace $0x8FFFFFFF  }
0x98: {  	s19 =	sld [smem:$0x3FDB];
	_ =	sdelay $0x1  }
0x99: {  	s4 =	simm.s32 $_scs_section_size  }
0x9a: {  	s5 =	simm.s32 $_size__tile_overlayer_lowered;
	s6 =	simm.s32 $_tile_overlayer_lowered  }
0x9b: {  	s22 =	simm.s32 $0x1BFF;
	s21 =	sshll.u32 s6, $0x1;
	s3 =	sadd.s32 s4, s19  }
0x9c: {  	s7 =	simm.s32 $0x0;
	s20 =	sshll.u32 s5, $0x1;
	s5 =	sadd.s32 s21, s3  }
0x9d: {  	[timem:s7], [sflag:s22] =	dma.local [hbm:s5], s20  }
0x9e: {  	_ =	swait.ge [sflag:s22], s20  }
0x9f: {  	s4 =	ssub.s32 $0x0, s20;
	[sflag:s22] =	ssyncset.done $0x0  }
0xa0: {  	[sflag:s22] =	ssyncadd.s32 s4;
	_ =	sdelay $0x1  }
0xa1: {  	s23 =	simm.s32 $0x1B8B  }
0xa2: {  	_ =	swait.ge [sflag:s23], $0x1  }
0xa3: {  	[sflag:s23] =	ssyncset.done $0x0  }
0xa4: {  	s25 =	simm.s32 $0x1B8E;
	s24 =	sld [smem:$0x3FFE];
	[sflag:s23] =	ssyncadd.s32 $0xFFFFFFFF  }
0xa5: {  	s26 =	simm.s32 $execute0_lowered;
	[smem:$0x3FD2] =	sst s25  }
0xa6: {  	s5 =	sshll.u32 s26, $0x1;
	_ =	strace $0x80000046;
	[dreg:$0x1] =	wrdreg $0xFFFFFFFF  }
0xa7: {  	s28 =	simm.s32 $_size_execute0_lowered;
	s3 =	sadd.s32 s3, s5;
	[dreg:$0x0] =	wrdreg $0x0  }
0xa8: {  	s5 =	sshll.u32 s28, $0x1;
	[dreg:$0x2] =	wrdreg s3  }
0xa9: {  	[dreg:$0x3] =	wrdreg s5  }
0xaa: {  	[dreg:$0x4] =	wrdreg $0xC0  }
0xab: {  	_ =	task [dreg:s7], $0x5FFFF  }
0xac: {  	[dreg:$0x1] =	wrdreg $0xFFFFFFFF  }
0xad: {  	[dreg:$0x0] =	wrdreg $0x60  }
0xae: {  	[dreg:$0x2] =	wrdreg s24  }
0xaf: {  	[dreg:$0x3] =	wrdreg s2  }
0xb0: {  	[dreg:$0x4] =	wrdreg $0x1D000  }
0xb1: {  	[dreg:$0x5] =	wrdreg $0x9  }
0xb2: {  	_ =	task.clear_ibuf [dreg:s7], $0x6FFFF;
	_ =	strace $0x90000046  }
0xb3: {  	s29 =	simm.s32 $0x9;
	_ =	strace $0x80000048  }
0xb4: {  	_ =	swait.ge [sflag:s29], $0x1  }
0xb5: {  	[sflag:s29] =	ssyncadd.s32 $0xFFFFFFFF  }
0xb6: {  	_ =	strace $0x90000048  }
0xb7: {  	_ =	sfence  }
0xb8: {  	s30 =	sld [smem:$0x0];
	_ =	sdelay $0x2  }
0xb9: {  	s31 =	sshll.u32 s1, $0xD;
	s1 =	sshrl.u32 s1, $0x2  }
0xba: {  	s3 =	sand.u32 $0x4000, s31;
	s1 =	sadd.s32 s1, s30  }
0xbb: {  	s0 =	sor.u32 s3, s0;
	s1 =	sshll.u32 s1, $0x11  }
0xbc: {  	s0 =	sor.u32 s1, s0  }
0xbd: {  	s0 =	sadd.s32 $0x8F2B, s0  }
0xbe: {  	[sflag:s0] =	ssyncadd.remote.s32 $0x1  }
0xbf: {  	_ =	sfence.sel $0xFFFF  }
0xc0: {  	[dreg:$0x0] =	wrdreg $0xFFFFFFFF;
	(pc) =	sbr.abs _section_cstart, $3  }
0xc1: {  	[dreg:$0x1] =	wrdreg $0xFFFFFFFF  }
0xc2: {  	_ =	task.clear_ibuf [dreg:s7], $0x2FFFF;
	_ =	strace $0x9FFFFFFF  }
0xc3: {  	(tm) =	ssettm $0x7FFFFFFF  }
tec
execute0_lowered:
.L_overlay_start_1:
0x0: {  	(tag) =	ssettag $0x1  }
0x1: {  	s1 =	srdreg.scid  }
0x2: {  	s1 =	sand.u32 $0x1, s1  }
0x3: {  	p0 =	seq.s32 s1, $0x1  }
.Ltmp0:
0x4: {  	s7 =	rddreg [dreg:$0x0];
	(pc) =	sbr.rel @p0 .LBB2_8-.Ltmp0, $4  }
0x5: {  	s16 =	rddreg [dreg:$0x1]  }
0x6: {  	s2 =	rddreg [dreg:$0x2];
	s15 =	simm.s32 $0x0  }
0x7: {  	[smem:$0x7FF] =	sst s15  }
0x8: {  	s0 =	rddreg [dreg:$0x3];
	_ =	strace $0x80000047;
	s1 =	stileid.u32  }
0x9: {  	s3 =	sadd.s32 $0xE00, s7  }
0xa: {  	[tilespmem:s15], [sflag:$0x1] =	stream.linear.gather [hbm4b:s3+s15], $0x400, $0x38;
	[tilespmem:$0x1D10] =	vst v63  }
0xb: {  	s3 =	simm.s32 $0x1  }
0xc: {  	_ =	swait.ge [sflag:s3], $0x400  }
0xd: {  	[sflag:s3] =	ssyncset.done $0x0  }
0xe: {  	s5 =	sadd.s32 $0xC00, s7;
	s4 =	simm.s32 $0x400;
	[sflag:s3] =	ssyncadd.s32 $0xFFFFFC00  }
0xf: {  	[tilespmem:s4], [sflag:$0x1] =	stream.linear.gather [hbm4b:s5+s15], $0x400, $0x38;
	[tilespmem:$0x1D10] =	vst v63  }
0x10: {  	_ =	swait.ge [sflag:s3], $0x400  }
0x11: {  	[sflag:s3] =	ssyncset.done $0x0  }
0x12: {  	s6 =	sadd.s32 $0xA00, s7;
	s5 =	simm.s32 $0x800;
	[sflag:s3] =	ssyncadd.s32 $0xFFFFFC00  }
0x13: {  	[tilespmem:s5], [sflag:$0x1] =	stream.linear.gather [hbm4b:s6+s15], $0x400, $0x38;
	[tilespmem:$0x1D10] =	vst v63  }
0x14: {  	_ =	swait.ge [sflag:s3], $0x400  }
0x15: {  	[sflag:s3] =	ssyncset.done $0x0  }
0x16: {  	s8 =	sadd.s32 $0x800, s7;
	s6 =	simm.s32 $0xC00;
	[sflag:s3] =	ssyncadd.s32 $0xFFFFFC00  }
0x17: {  	[tilespmem:s6], [sflag:$0x1] =	stream.linear.gather [hbm4b:s8+s15], $0x400, $0x38;
	[tilespmem:$0x1D10] =	vst v63  }
0x18: {  	_ =	swait.ge [sflag:s3], $0x400  }
0x19: {  	[sflag:s3] =	ssyncset.done $0x0  }
0x1a: {  	s30 =	sadd.s32 $0x1000, s7;
	s7 =	simm.s32 $0x1400;
	[sflag:s3] =	ssyncadd.s32 $0xFFFFFC00  }
0x1b: {  	[tilespmem:s7], [sflag:$0x1] =	stream.linear.gather [hbm4b:s30+s15], $0x400, $0x38;
	[tilespmem:$0x1D10] =	vst v63  }
0x1c: {  	_ =	swait.ge [sflag:s3], $0x400  }
0x1d: {  	[sflag:s3] =	ssyncset.done $0x0  }
0x1e: {  	s8 =	sshll.u32 s1, $0x6;
	[sflag:s3] =	ssyncadd.s32 $0xFFFFFC00  }
0x1f: {  	v0 =	vld [tilespmem:s8+$0x800]  }
0x20: {  	v1 =	vld [tilespmem:s8+$0x0]  }
0x21: {  	v2 =	vld [tilespmem:s8+$0xC00]  }
0x22: {  	v3 =	vld [tilespmem:s8+$0x400];
	_ =	sdelay $0x4  }
0x23: {  	v0 =	vsub.f32 v0, v1;
	v1 =	vsub.f32 v2, v3;
	_ =	sdelay $0x1  }
0x24: {  	v0 =	vmul.f32 v1, v0;
	_ =	sdelay $0x1  }
0x25: {  	[tilespmem:s8+$0x1000] =	vst v0;
	v0 =	vimm.f32 $0.0e+00  }
0x26: {  	s9 =	sor.u32 $0x10, s8;
	[tilespmem:s8+$0x1800] =	vst v0  }
0x27: {  	v1 =	vld [tilespmem:s9+$0x800]  }
0x28: {  	v2 =	vld [tilespmem:s9+$0x0]  }
0x29: {  	v3 =	vld [tilespmem:s9+$0xC00]  }
0x2a: {  	v4 =	vld [tilespmem:s9+$0x400];
	_ =	sdelay $0x4  }
0x2b: {  	v1 =	vsub.f32 v1, v2;
	v2 =	vsub.f32 v3, v4;
	_ =	sdelay $0x1  }
0x2c: {  	v1 =	vmul.f32 v2, v1  }
0x2d: {  	[tilespmem:s9+$0x1800] =	vst v0  }
0x2e: {  	s10 =	sor.u32 $0x20, s8;
	[tilespmem:s9+$0x1000] =	vst v1  }
0x2f: {  	v1 =	vld [tilespmem:s10+$0x800]  }
0x30: {  	v2 =	vld [tilespmem:s10+$0x0]  }
0x31: {  	v3 =	vld [tilespmem:s10+$0xC00]  }
0x32: {  	v4 =	vld [tilespmem:s10+$0x400];
	_ =	sdelay $0x4  }
0x33: {  	v1 =	vsub.f32 v1, v2;
	v2 =	vsub.f32 v3, v4;
	_ =	sdelay $0x1  }
0x34: {  	v1 =	vmul.f32 v2, v1  }
0x35: {  	[tilespmem:s10+$0x1800] =	vst v0  }
0x36: {  	s11 =	sor.u32 $0x30, s8;
	[tilespmem:s10+$0x1000] =	vst v1  }
0x37: {  	v1 =	vld [tilespmem:s11+$0x800]  }
0x38: {  	v2 =	vld [tilespmem:s11+$0x0]  }
0x39: {  	v3 =	vld [tilespmem:s11+$0xC00]  }
0x3a: {  	v4 =	vld [tilespmem:s11+$0x400];
	_ =	sdelay $0x4  }
0x3b: {  	v1 =	vsub.f32 v1, v2;
	v2 =	vsub.f32 v3, v4;
	_ =	sdelay $0x1  }
0x3c: {  	v1 =	vmul.f32 v2, v1  }
0x3d: {  	[tilespmem:s11+$0x1800] =	vst v0  }
0x3e: {  	[tilespmem:s11+$0x1000] =	vst v1  }
0x3f: {  	v6 =	vld [tilespmem:s8+$0x1400];
	_ =	sdelay $0x1  }
0x40: {  	v7 =	vld [tilespmem:s9+$0x1400];
	_ =	sdelay $0x1  }
0x41: {  	v8 =	vld [tilespmem:s10+$0x1400]  }
0x42: {  	vm3 =	vgt.f32 v6, $-2.000000000e+00  }
0x43: {  	v10 =	vld [tilespmem:s11+$0x1400];
	v9 =	vnsel vm3, $0xC0000000, v6  }
0x44: {  	vm1 =	vgt.f32 v7, v9  }
0x45: {  	v11 =	vsel vm1, v7, v9  }
0x46: {  	vm2 =	vgt.f32 v8, v11  }
0x47: {  	v12 =	vsel vm2, v8, v11  }
0x48: {  	vm0 =	vgt.f32 v10, v12  }
0x49: {  	v13 =	vsel vm0, v10, v12  }
0x4a: {  	(xrf0) =	vmax.scan.msk.f32 $0xffff, v13;
	_ =	sdelay $0x2  }
0x4b: {  	v14 =	vlaneseq.u32  }
0x4c: {  	v1 =	vor.u32 s8, v14  }
0x4d: {  	v2 =	vor.u32 s9, v14;
	v15 =	vnsel vm3, $0x0, v1  }
0x4e: {  	v3 =	vor.u32 s10, v14;
	v4 =	vimm.s32 $0xF;
	v16 =	vsel vm1, v2, v15;
	v17, _, _ =	vpop (xrf0)  }
0x4f: {  	v5 =	vor.u32 s11, v14;
	v18 =	vsel vm2, v3, v16;
	v17 =	vperm.xlane v17, v4  }
0x50: {  	v19 =	vsel vm0, v5, v18  }
0x51: {  	v20 =	vsub.s32 $0x80000000, v19;
	vm4 =	veq.f32 v13, v17  }
0x52: {  	vm15 =	vgt.f32 v6, $-3.000000000e+00;
	v20 =	vnsel vm4, $0x1, v20  }
0x53: {  	vm4 =	vmneg vm15;
	(xrf0) =	vmax.scan.msk.u32 $0xffff, v20  }
0x54: {  	v6 =	vsel vm4, $0xC0400000, v6  }
0x55: {  	v6 =	vsel vm3, $0xC0000000, v6  }
0x56: {  	vm5 =	vgt.f32 v7, v6  }
0x57: {  	v6 =	vsel vm5, v7, v6  }
0x58: {  	v6 =	vsel vm1, v9, v6  }
0x59: {  	vm6 =	vgt.f32 v8, v6;
	v7, _, _ =	vpop (xrf0)  }
0x5a: {  	v6 =	vsel vm6, v8, v6;
	v7 =	vxor.u32 $0x80000000, v7  }
0x5b: {  	v6 =	vsel vm2, v11, v6;
	v7 =	vperm.xlane v7, v4  }
0x5c: {  	vm7 =	vgt.f32 v10, v6  }
0x5d: {  	v6 =	vsel vm7, v10, v6;
	v7 =	vsub.s32 $0x0, v7  }
0x5e: {  	v6 =	vsel vm0, v12, v6;
	vm8 =	veq.s32 v19, v7  }
0x5f: {  	v6 =	vsel vm8, v6, v13  }
0x60: {  	vm3 =	vmor vm3, vm4;
	(xrf0) =	vmax.scan.msk.f32 $0xffff, v6  }
0x61: {  	v8 =	vsel vm3, $0x0, v1  }
0x62: {  	v8 =	vsel vm5, v2, v8  }
0x63: {  	v8 =	vsel vm1, v15, v8  }
0x64: {  	v8 =	vsel vm6, v3, v8  }
0x65: {  	v8 =	vsel vm2, v16, v8  }
0x66: {  	v8 =	vsel vm7, v5, v8;
	v9, _, _ =	vpop (xrf0)  }
0x67: {  	v8 =	vsel vm0, v18, v8;
	v9 =	vperm.xlane v9, v4  }
0x68: {  	v8 =	vsel vm8, v8, v19  }
0x69: {  	vm0 =	veq.f32 v6, v9;
	v6 =	vsub.s32 $0x80000000, v8  }
0x6a: {  	v6 =	vnsel vm0, $0x1, v6  }
0x6b: {  	(xrf0) =	vmax.scan.msk.u32 $0xffff, v6;
	_ =	sdelay $0x5  }
0x6c: {  	v6, _, _ =	vpop (xrf0)  }
0x6d: {  	v6 =	vxor.u32 $0x80000000, v6  }
0x6e: {  	v6 =	vperm.xlane v6, v4;
	_ =	sdelay $0x1  }
0x6f: {  	vm0 =	vcmask $0x3F0C;
	v6 =	vsub.s32 $0x0, v6  }
0x70: {  	vm1 =	vcmask $0x3F08;
	v6 =	vsel vm0, v6, v9  }
0x71: {  	vm2 =	vmmov $0x1;
	v6 =	vsel vm1, v6, v7  }
0x72: {  	s12 =	sshll.u32 s1, $0x3;
	v6 =	vsel vm2, v17, v6  }
0x73: {  	s13 =	simm.s32 $0x1C00;
	s14 =	sadd.s32 s12, s2;
	[tilespmem:$0x1C00] =	vst v6  }
0x74: {  	[spmem:s14] =	stream.linear.scatter [tilespmem:s13], [sflag:$0x1], $0x8, $0x38;
	[tilespmem:$0x1D10] =	vst v63  }
0x75: {  	_ =	swait.ge [sflag:s3], $0x8  }
0x76: {  	[sflag:s3] =	ssyncset.done $0x0  }
0x77: {  	v6 =	vmul.u32 $0x8, v14;
	[sflag:s3] =	ssyncadd.s32 $0xFFFFFFF8  }
0x78: {  	s14 =	simm.s32 $0x1C80;
	[bflag:$0x0] =	sbarrier.arrive $0xFFFF  }
0x79: {  	[tilespmem:s14], [sflag:$0x1] =	stream.linear.gather [spmem:s2], $0x80, $0x38;
	[tilespmem:$0x1D10] =	vst v63  }
0x7a: {  	_ =	swait.ge [sflag:s3], $0x80  }
0x7b: {  	[sflag:s3] =	ssyncset.done $0x0  }
0x7c: {  	[sflag:s3] =	ssyncadd.s32 $0xFFFFFF80  }
0x7d: {  	v10 =	vld.idx.msk [tilespmem:v6+s14+$0x0], $0xffff;
	_ =	sdelay $0x3  }
0x7e: {  	v7 =	vor.u32 $0x1, v6  }
0x7f: {  	(xrf0) =	vmax.scan.msk.f32 $0xffff, v10;
	_ =	sdelay $0x3  }
0x80: {  	v12 =	vld.idx.msk [tilespmem:v7+s14+$0x0], $0xffff;
	_ =	sdelay $0x1  }
0x81: {  	v8, _, _ =	vpop (xrf0)  }
0x82: {  	v21 =	vperm.xlane v8, v4;
	_ =	sdelay $0x1  }
0x83: {  	v8 =	vsub.s32 $0x80000000, v12;
	vm3 =	veq.f32 v10, v21  }
0x84: {  	v8 =	vnsel vm3, $0x1, v8  }
0x85: {  	(xrf0) =	vmax.scan.msk.u32 $0xffff, v8;
	_ =	sdelay $0x1  }
0x86: {  	v8 =	vor.u32 $0x2, v6;
	_ =	sdelay $0x3  }
0x87: {  	v9, _, _ =	vpop (xrf0)  }
0x88: {  	v11 =	vld.idx.msk [tilespmem:v8+s14+$0x0], $0xffff;
	v9 =	vxor.u32 $0x80000000, v9  }
0x89: {  	v9 =	vperm.xlane v9, v4;
	_ =	sdelay $0x1  }
0x8a: {  	v22 =	vsub.s32 $0x0, v9  }
0x8b: {  	v9 =	vor.u32 $0x3, v6;
	vm3 =	veq.s32 v12, v22  }
0x8c: {  	v10 =	vsel vm3, v11, v10  }
0x8d: {  	(xrf0) =	vmax.scan.msk.f32 $0xffff, v10;
	_ =	sdelay $0x2  }
0x8e: {  	v13 =	vld.idx.msk [tilespmem:v9+s14+$0x0], $0xffff;
	_ =	sdelay $0x2  }
0x8f: {  	v11, _, _ =	vpop (xrf0)  }
0x90: {  	v11 =	vperm.xlane v11, v4  }
0x91: {  	v12 =	vsel vm3, v13, v12  }
0x92: {  	vm3 =	veq.f32 v10, v11;
	v10 =	vsub.s32 $0x80000000, v12  }
0x93: {  	v10 =	vnsel vm3, $0x1, v10;
	vm3 =	vge.f32 v21, $5.000000070e-02  }
0x94: {  	(xrf0) =	vmax.scan.msk.u32 $0xffff, v10;
	v10 =	vsel vm3, $0x3F800000, v0  }
0x95: {  	(xrf0) =	vmax.scan.msk.f32 $0xffff, v10;
	_ =	sdelay $0x4  }
0x96: {  	v10, _, _ =	vpop (xrf0)  }
0x97: {  	v12, _, _ =	vpop (xrf0)  }
0x98: {  	(v2sf) =	vpush v12, $0xF;
	_ =	sdelay $0x9  }
0x99: {  	v10 =	vxor.u32 $0x80000000, v10  }
0x9a: {  	v10 =	vperm.xlane v10, v4;
	_ =	sdelay $0x1  }
0x9b: {  	v13 =	vsub.s32 $0x0, v10  }
0x9c: {  	v16 =	vld.idx.msk [tilespmem:v22+s15+$0x0], $0xffff  }
0x9d: {  	v15 =	vld.idx.msk [tilespmem:v22+s4+$0x0], $0xffff;
	s31 =	spop (v2sf)  }
0x9e: {  	v14 =	vld.idx.msk [tilespmem:v22+s5+$0x0], $0xffff;
	p0 =	sgt.f32 s31, $0.0e+00  }
.Ltmp1:
0x9f: {  	v12 =	vld.idx.msk [tilespmem:v22+s6+$0x0], $0xffff;
	(pc) =	sbr.rel @!p0 .LBB2_7-.Ltmp1, $4  }
0xa0: {  	v17 =	vld.idx.msk [tilespmem:v13+s15+$0x0], $0xffff  }
0xa1: {  	v18 =	vld.idx.msk [tilespmem:v13+s4+$0x0], $0xffff  }
0xa2: {  	v19 =	vld.idx.msk [tilespmem:v13+s5+$0x0], $0xffff  }
0xa3: {  	s16 =	sadd.s32 s16, s12;
	s15 =	sor.u32 $0x1800, s8;
	v20 =	vld.idx.msk [tilespmem:v13+s6+$0x0], $0xffff  }
0xa4: {  	_ =	sdelay $0x2  }
0xa5: {  	vm5 =	vgt.f32 v15, v18;
	vm3 =	vlt.f32 v14, v19  }
0xa6: {  	v10 =	vsel vm3, v14, v19;
	vm3 =	vgt.f32 v16, v17;
	vm4 =	vlt.f32 v12, v20  }
0xa7: {  	v25 =	vsel vm5, v15, v18;
	v23 =	vsel vm3, v16, v17;
	v24 =	vsel vm4, v12, v20  }
0xa8: {  	v10 =	vsub.f32 v10, v23;
	v23 =	vsub.f32 v24, v25;
	_ =	sdelay $0x1  }
0xa9: {  	vm3 =	vle.f32 v10, $0.0e+00;
	vm15 =	vle.f32 v23, $0.0e+00  }
0xaa: {  	vm3 =	vmor vm3, vm15  }
0xab: {  	v10 =	vsel vm3, $0x3F800000, v0  }
0xac: {  	(xrf0) =	vmax.scan.msk.f32 $0xffff, v10;
	_ =	sdelay $0x5  }
0xad: {  	v10, _, _ =	vpop (xrf0)  }
0xae: {  	(v2sf) =	vpush v10, $0xF;
	_ =	sdelay $0xb  }
.Ltmp2:
0xaf: {  	_ = 	snop;
	(pc) =	sbr.rel .LBB2_3-.Ltmp2, $3  }
0xb0: {  	_ =	sdelay $0x1  }
0xb1: {  	s18 =	simm.s32 $0x1800;
	s19 =	simm.s32 $0x1;
	s17 =	spop (v2sf)  }
0xb2: {  	s20 =	simm.s32 $0x0;
	v10 =	vimm.f32 $-1.000000000e+00;
	p0 =	sgt.f32 s17, $0.0e+00;
	s17 =	simm.s32 $0x0  }
.LBB2_5:
0xb3: {  	v11 =	vld [tilespmem:s9+$0x0]  }
0xb4: {  	v13 =	vld [tilespmem:s9+$0x400]  }
0xb5: {  	v17 =	vld [tilespmem:s9+$0x800]  }
0xb6: {  	v18 =	vld [tilespmem:s9+$0xC00];
	_ =	sdelay $0x3  }
0xb7: {  	vm3 =	vgt.f32 v16, v11;
	vm4 =	vlt.f32 v14, v17  }
0xb8: {  	vm5 =	vlt.f32 v12, v18;
	v11 =	vsel vm3, v16, v11;
	vm3 =	vgt.f32 v15, v13  }
0xb9: {  	v19 =	vld [tilespmem:s9+$0x1000];
	v17 =	vsel vm4, v14, v17;
	v18 =	vsel vm5, v12, v18;
	v13 =	vsel vm3, v15, v13  }
0xba: {  	v11 =	vsub.f32 v17, v11;
	v13 =	vsub.f32 v18, v13;
	_ =	sdelay $0x1  }
0xbb: {  	vm3 =	vgt.f32 v11, $0.0e+00;
	vm15 =	vgt.f32 v13, $0.0e+00  }
0xbc: {  	v11 =	vnsel vm3, $0x0, v11;
	v13 =	vnsel vm15, $0x0, v13  }
0xbd: {  	v11 =	vmul.f32 v13, v11;
	v13 =	vadd.f32 v19, v21;
	_ =	sdelay $0x1  }
0xbe: {  	v13 =	vsub.f32 v13, v11;
	_ =	sdelay $0x1  }
0xbf: {  	v13 =	vadd.f32 $1.000000010e-07, v13;
	_ =	sdelay $0x1  }
0xc0: {  	(erf) = vrcp.f32 v13;
	_ =	sdelay $0x8  }
0xc1: {  	v13 =	vpop (erf)  }
0xc2: {  	v11 =	vmul.f32 v13, v11;
	_ =	sdelay $0x1  }
0xc3: {  	v11 =	vmul.f32 v11, v11;
	_ =	sdelay $0x1  }
0xc4: {  	v11 =	vmul.f32 $-2.000000000e+00, v11;
	_ =	sdelay $0x1  }
0xc5: {  	v11 =	vmul.f32 $1.442695020e+00, v11;
	_ =	sdelay $0x1  }
0xc6: {  	(erf) = vpow2.f32 v11;
	_ =	sdelay $0x4  }
0xc7: {  	v11 =	vld [tilespmem:s9+$0x1400];
	_ =	sdelay $0x3  }
0xc8: {  	v13 =	vpop (erf)  }
0xc9: {  	v13 =	vmul.f32 v13, v11  }
0xca: {  	vm3 =	vge.f32 v11, $0.0e+00  }
0xcb: {  	v11 =	vsel vm3, v13, v11  }
0xcc: {  	[tilespmem:s9+$0x1400] =	vst v11  }
0xcd: {  	v13 =	vld [tilespmem:s10+$0x0]  }
0xce: {  	v17 =	vld [tilespmem:s10+$0x400]  }
0xcf: {  	v18 =	vld [tilespmem:s10+$0x800]  }
0xd0: {  	v19 =	vld [tilespmem:s10+$0xC00];
	_ =	sdelay $0x3  }
0xd1: {  	vm3 =	vgt.f32 v16, v13;
	vm8 =	vlt.f32 v14, v18  }
0xd2: {  	vm9 =	vlt.f32 v12, v19;
	v13 =	vsel vm3, v16, v13;
	vm3 =	vgt.f32 v15, v17  }
0xd3: {  	v20 =	vld [tilespmem:s10+$0x1000];
	v18 =	vsel vm8, v14, v18;
	v19 =	vsel vm9, v12, v19;
	v17 =	vsel vm3, v15, v17  }
0xd4: {  	v13 =	vsub.f32 v18, v13;
	v17 =	vsub.f32 v19, v17;
	_ =	sdelay $0x1  }
0xd5: {  	vm3 =	vgt.f32 v13, $0.0e+00;
	vm10 =	vgt.f32 v17, $0.0e+00  }
0xd6: {  	v13 =	vnsel vm3, $0x0, v13;
	v17 =	vnsel vm10, $0x0, v17  }
0xd7: {  	v13 =	vmul.f32 v17, v13;
	v17 =	vadd.f32 v20, v21;
	_ =	sdelay $0x1  }
0xd8: {  	v17 =	vsub.f32 v17, v13;
	_ =	sdelay $0x1  }
0xd9: {  	v17 =	vadd.f32 $1.000000010e-07, v17;
	_ =	sdelay $0x1  }
0xda: {  	(erf) = vrcp.f32 v17;
	_ =	sdelay $0x8  }
0xdb: {  	v17 =	vpop (erf)  }
0xdc: {  	v13 =	vmul.f32 v17, v13;
	_ =	sdelay $0x1  }
0xdd: {  	v13 =	vmul.f32 v13, v13;
	_ =	sdelay $0x1  }
0xde: {  	v13 =	vmul.f32 $-2.000000000e+00, v13;
	_ =	sdelay $0x1  }
0xdf: {  	v13 =	vmul.f32 $1.442695020e+00, v13;
	_ =	sdelay $0x1  }
0xe0: {  	(erf) = vpow2.f32 v13;
	_ =	sdelay $0x4  }
0xe1: {  	v13 =	vld [tilespmem:s10+$0x1400];
	_ =	sdelay $0x3  }
0xe2: {  	v17 =	vpop (erf)  }
0xe3: {  	v17 =	vmul.f32 v17, v13  }
0xe4: {  	vm3 =	vge.f32 v13, $0.0e+00  }
0xe5: {  	v13 =	vsel vm3, v17, v13  }
0xe6: {  	[tilespmem:s10+$0x1400] =	vst v13  }
0xe7: {  	v17 =	vld [tilespmem:s11+$0x0]  }
0xe8: {  	v18 =	vld [tilespmem:s11+$0x400]  }
0xe9: {  	v19 =	vld [tilespmem:s11+$0x800]  }
0xea: {  	v20 =	vld [tilespmem:s11+$0xC00];
	_ =	sdelay $0x3  }
0xeb: {  	vm3 =	vgt.f32 v16, v17;
	vm11 =	vlt.f32 v14, v19  }
0xec: {  	vm12 =	vlt.f32 v12, v20;
	v16 =	vsel vm3, v16, v17;
	vm3 =	vgt.f32 v15, v18  }
0xed: {  	v14 =	vsel vm11, v14, v19;
	v12 =	vsel vm12, v12, v20;
	v17 =	vld [tilespmem:s11+$0x1000];
	v15 =	vsel vm3, v15, v18  }
0xee: {  	v14 =	vsub.f32 v14, v16;
	v12 =	vsub.f32 v12, v15;
	_ =	sdelay $0x1  }
0xef: {  	vm3 =	vgt.f32 v14, $0.0e+00;
	vm13 =	vgt.f32 v12, $0.0e+00  }
0xf0: {  	v14 =	vnsel vm3, $0x0, v14;
	v12 =	vnsel vm13, $0x0, v12  }
0xf1: {  	v12 =	vmul.f32 v12, v14;
	v14 =	vadd.f32 v17, v21;
	_ =	sdelay $0x1  }
0xf2: {  	v14 =	vsub.f32 v14, v12;
	_ =	sdelay $0x1  }
0xf3: {  	v14 =	vadd.f32 $1.000000010e-07, v14;
	_ =	sdelay $0x1  }
0xf4: {  	(erf) = vrcp.f32 v14;
	_ =	sdelay $0x8  }
0xf5: {  	v14 =	vpop (erf)  }
0xf6: {  	v12 =	vmul.f32 v14, v12;
	_ =	sdelay $0x1  }
0xf7: {  	v12 =	vmul.f32 v12, v12;
	_ =	sdelay $0x1  }
0xf8: {  	v12 =	vmul.f32 $-2.000000000e+00, v12;
	_ =	sdelay $0x1  }
0xf9: {  	v12 =	vmul.f32 $1.442695020e+00, v12;
	_ =	sdelay $0x1  }
0xfa: {  	(erf) = vpow2.f32 v12;
	_ =	sdelay $0x4  }
0xfb: {  	v12 =	vld [tilespmem:s11+$0x1400];
	_ =	sdelay $0x1  }
0xfc: {  	vm14 =	vgt.f32 v22, $-2.000000000e+00  }
0xfd: {  	v14 =	vnsel vm14, $0xC0000000, v22  }
0xfe: {  	vm3 =	vgt.f32 v11, v14;
	v15 =	vpop (erf)  }
0xff: {  	v16 =	vsel vm3, v11, v14;
	v15 =	vmul.f32 v15, v12  }
0x100: {  	vm15 =	vgt.f32 v13, v16;
	vm6 =	vge.f32 v12, $0.0e+00  }
0x101: {  	v17 =	vsel vm15, v13, v16;
	v12 =	vsel vm6, v15, v12  }
0x102: {  	vm6 =	vgt.f32 v12, v17  }
0x103: {  	v15 =	vsel vm6, v12, v17  }
0x104: {  	(xrf0) =	vmax.scan.msk.f32 $0xffff, v15;
	_ =	sdelay $0x4  }
0x105: {  	v18 =	vnsel vm14, $0x0, v1  }
0x106: {  	v19 =	vsel vm3, v2, v18;
	v20, _, _ =	vpop (xrf0)  }
0x107: {  	v21 =	vsel vm15, v3, v19;
	v20 =	vperm.xlane v20, v4  }
0x108: {  	v23 =	vsel vm6, v5, v21  }
0x109: {  	v24 =	vsub.s32 $0x80000000, v23;
	vm7 =	veq.f32 v15, v20  }
0x10a: {  	vm12 =	vgt.f32 v22, $-3.000000000e+00;
	v24 =	vnsel vm7, $0x1, v24  }
0x10b: {  	vm7 =	vmneg vm12;
	(xrf0) =	vmax.scan.msk.u32 $0xffff, v24  }
0x10c: {  	v22 =	vsel vm7, $0xC0400000, v22  }
0x10d: {  	v22 =	vsel vm14, $0xC0000000, v22  }
0x10e: {  	vm8 =	vgt.f32 v11, v22  }
0x10f: {  	v11 =	vsel vm8, v11, v22  }
0x110: {  	v11 =	vsel vm3, v14, v11  }
0x111: {  	vm9 =	vgt.f32 v13, v11;
	v14, _, _ =	vpop (xrf0)  }
0x112: {  	v11 =	vsel vm9, v13, v11;
	v13 =	vxor.u32 $0x80000000, v14  }
0x113: {  	v11 =	vsel vm15, v16, v11;
	v13 =	vperm.xlane v13, v4  }
0x114: {  	vm10 =	vgt.f32 v12, v11  }
0x115: {  	v11 =	vsel vm10, v12, v11;
	v13 =	vsub.s32 $0x0, v13  }
0x116: {  	v11 =	vsel vm6, v17, v11;
	vm11 =	veq.s32 v23, v13  }
0x117: {  	v11 =	vsel vm11, v11, v15  }
0x118: {  	vm4 =	vmor vm14, vm7;
	(xrf0) =	vmax.scan.msk.f32 $0xffff, v11  }
0x119: {  	v14 =	vsel vm4, $0x0, v1  }
0x11a: {  	v14 =	vsel vm8, v2, v14  }
0x11b: {  	v14 =	vsel vm3, v18, v14  }
0x11c: {  	v14 =	vsel vm9, v3, v14  }
0x11d: {  	v14 =	vsel vm15, v19, v14  }
0x11e: {  	v14 =	vsel vm10, v5, v14;
	v15, _, _ =	vpop (xrf0)  }
0x11f: {  	v14 =	vsel vm6, v21, v14;
	v15 =	vperm.xlane v15, v4  }
0x120: {  	v14 =	vsel vm11, v14, v23  }
0x121: {  	vm3 =	veq.f32 v11, v15;
	v11 =	vsub.s32 $0x80000000, v14  }
0x122: {  	v11 =	vnsel vm3, $0x1, v11  }
0x123: {  	(xrf0) =	vmax.scan.msk.u32 $0xffff, v11;
	_ =	sdelay $0x5  }
0x124: {  	v11, _, _ =	vpop (xrf0)  }
0x125: {  	v11 =	vxor.u32 $0x80000000, v11  }
0x126: {  	v11 =	vperm.xlane v11, v4;
	_ =	sdelay $0x1  }
0x127: {  	v11 =	vsub.s32 $0x0, v11  }
0x128: {  	s21 =	sshll.u32 s19, $0x7;
	v11 =	vsel vm0, v11, v15  }
0x129: {  	s21 =	sand.u32 $0x80, s21;
	v11 =	vsel vm1, v11, v13  }
0x12a: {  	s21 =	sadd.s32 s21, s2;
	[tilespmem:s11+$0x1400] =	vst v12;
	v11 =	vsel vm2, v20, v11  }
0x12b: {  	s22 =	sadd.s32 s12, s21;
	[tilespmem:$0x1C00] =	vst v11  }
0x12c: {  	[spmem:s22] =	stream.linear.scatter [tilespmem:s13], [sflag:$0x1], $0x8, $0x38;
	[tilespmem:$0x1D10] =	vst v63  }
0x12d: {  	_ =	swait.ge [sflag:s3], $0x8  }
0x12e: {  	[sflag:s3] =	ssyncset.done $0x0  }
0x12f: {  	[sflag:s3] =	ssyncadd.s32 $0xFFFFFFF8  }
0x130: {  	[bflag:$0x0] =	sbarrier.arrive $0xFFFF  }
0x131: {  	[tilespmem:s14], [sflag:$0x1] =	stream.linear.gather [spmem:s21], $0x80, $0x38;
	[tilespmem:$0x1D10] =	vst v63  }
0x132: {  	_ =	swait.ge [sflag:s3], $0x80  }
0x133: {  	[sflag:s3] =	ssyncset.done $0x0  }
0x134: {  	[sflag:s3] =	ssyncadd.s32 $0xFFFFFF80  }
0x135: {  	v12 =	vld.idx.msk [tilespmem:v6+s14+$0x0], $0xffff;
	_ =	sdelay $0x4  }
0x136: {  	(xrf0) =	vmax.scan.msk.f32 $0xffff, v12;
	_ =	sdelay $0x3  }
0x137: {  	v14 =	vld.idx.msk [tilespmem:v7+s14+$0x0], $0xffff;
	_ =	sdelay $0x1  }
0x138: {  	v11, _, _ =	vpop (xrf0)  }
0x139: {  	v11 =	vperm.xlane v11, v4;
	_ =	sdelay $0x1  }
0x13a: {  	v13 =	vsub.s32 $0x80000000, v14;
	vm3 =	veq.f32 v12, v11  }
0x13b: {  	v13 =	vnsel vm3, $0x1, v13  }
0x13c: {  	(xrf0) =	vmax.scan.msk.u32 $0xffff, v13;
	_ =	sdelay $0x5  }
0x13d: {  	v13, _, _ =	vpop (xrf0)  }
0x13e: {  	v15 =	vld.idx.msk [tilespmem:v8+s14+$0x0], $0xffff;
	v13 =	vxor.u32 $0x80000000, v13  }
0x13f: {  	v13 =	vperm.xlane v13, v4;
	_ =	sdelay $0x1  }
0x140: {  	v13 =	vsub.s32 $0x0, v13  }
0x141: {  	vm3 =	veq.s32 v14, v13  }
0x142: {  	v12 =	vsel vm3, v15, v12  }
0x143: {  	(xrf0) =	vmax.scan.msk.f32 $0xffff, v12;
	_ =	sdelay $0x2  }
0x144: {  	v15 =	vld.idx.msk [tilespmem:v9+s14+$0x0], $0xffff;
	_ =	sdelay $0x2  }
0x145: {  	v16, _, _ =	vpop (xrf0)  }
0x146: {  	v23 =	vperm.xlane v16, v4  }
0x147: {  	v14 =	vsel vm3, v15, v14  }
0x148: {  	vm3 =	veq.f32 v12, v23;
	v12 =	vsub.s32 $0x80000000, v14  }
0x149: {  	v12 =	vnsel vm3, $0x1, v12  }
0x14a: {  	(xrf0) =	vmax.scan.msk.u32 $0xffff, v12;
	_ =	sdelay $0x5  }
0x14b: {  	v12, _, _ =	vpop (xrf0)  }
0x14c: {  	v12 =	vxor.u32 $0x80000000, v12  }
0x14d: {  	v12 =	vperm.xlane v12, v4;
	_ =	sdelay $0x1  }
0x14e: {  	v24 =	vsub.s32 $0x0, v12  }
0x14f: {  	v17 =	vld.idx.msk [tilespmem:v13+s17+$0x0], $0xffff  }
0x150: {  	v18 =	vld.idx.msk [tilespmem:v13+s4+$0x0], $0xffff  }
0x151: {  	v19 =	vld.idx.msk [tilespmem:v13+s5+$0x0], $0xffff  }
0x152: {  	v20 =	vld.idx.msk [tilespmem:v13+s6+$0x0], $0xffff  }
0x153: {  	v25 =	vld.idx.msk [tilespmem:v24+s17+$0x0], $0xffff  }
0x154: {  	v27 =	vld.idx.msk [tilespmem:v24+s5+$0x0], $0xffff  }
0x155: {  	v28 =	vld.idx.msk [tilespmem:v24+s6+$0x0], $0xffff  }
0x156: {  	v26 =	vld.idx.msk [tilespmem:v24+s4+$0x0], $0xffff;
	_ =	sdelay $0x3  }
0x157: {  	vm3 =	vlt.f32 v19, v27;
	vm13 =	vlt.f32 v20, v28  }
0x158: {  	vm14 =	vgt.f32 v18, v26;
	v12 =	vsel vm3, v19, v27;
	vm3 =	vgt.f32 v17, v25  }
0x159: {  	v15 =	vsel vm13, v20, v28;
	v16 =	vsel vm14, v18, v26;
	v14 =	vsel vm3, v17, v25  }
0x15a: {  	v12 =	vsub.f32 v12, v14;
	v14 =	vsub.f32 v15, v16;
	_ =	sdelay $0x1  }
0x15b: {  	vm3 =	vle.f32 v12, $0.0e+00;
	vm15 =	vle.f32 v14, $0.0e+00  }
0x15c: {  	vm3 =	vmor vm3, vm15  }
0x15d: {  	v12 =	vsel vm3, $0x3F800000, v0  }
0x15e: {  	(xrf0) =	vmax.scan.msk.f32 $0xffff, v12;
	_ =	sdelay $0x5  }
0x15f: {  	v12, _, _ =	vpop (xrf0)  }
0x160: {  	(v2sf) =	vpush v12, $0xF;
	_ =	sdelay $0xe  }
0x161: {  	s31 =	spop (v2sf)  }
0x162: {  	s19 =	sadd.s32 $0x1, s19;
	p0 =	sgt.f32 s31, $0.0e+00  }
.LBB2_6:
0x163: {  	vm3 =	vge.f32 v11, $5.000000070e-02  }
0x164: {  	v21 =	vmov v11;
	v11 =	vsel vm3, $0x3F800000, v0  }
0x165: {  	(xrf0) =	vmax.scan.msk.f32 $0xffff, v11;
	_ =	sdelay $0x5  }
0x166: {  	v11, _, _ =	vpop (xrf0)  }
0x167: {  	(v2sf) =	vpush v11, $0xF;
	_ =	sdelay $0xe  }
0x168: {  	p1 =	sgt.u32 s20, $0x3E6;
	s21 =	spop (v2sf)  }
0x169: {  	p2 =	sgt.f32 @!p1 s21, $0.0e+00;
	_ =	sdelay $0x1  }
0x16a: {  	p1 =	por p1, !p2  }
.Ltmp3:
0x16b: {  	_ = 	snop;
	(pc) =	sbr.rel @p1 .LBB2_7-.Ltmp3, $4  }
0x16c: {  	_ = 	snop  }
0x16d: {  	v12 =	vmov v20  }
0x16e: {  	v14 =	vmovc v19;
	v15 =	vmovc v18;
	v16 =	vmov v17;
	v22 =	vmov v13;
	v20 =	vmov v28  }
0x16f: {  	s20 =	sadd.s32 $0x1, s20;
	v19 =	vmovc v27;
	v18 =	vmovc v26;
	v17 =	vmov v25;
	v13 =	vmov v24;
	v11 =	vmov v23  }
.LBB2_3:
0x170: {  	_ =	sdelay $0x3  }
0x171: {  	[tilespmem:v22+s18+$0x0] =	vst.idx.msk $0x1, v21  }
0x172: {  	[tilespmem:v22+s7+$0x0] =	vst.idx.msk $0x1, v10  }
0x173: {  	v21 =	vld [tilespmem:s8+$0x0]  }
0x174: {  	v22 =	vld [tilespmem:s8+$0x400]  }
0x175: {  	v23 =	vld [tilespmem:s8+$0x800]  }
0x176: {  	v24 =	vld [tilespmem:s8+$0xC00];
	_ =	sdelay $0x2  }
0x177: {  	vm3 =	vgt.f32 v16, v21  }
0x178: {  	v25 =	vsub.f32 v14, v16;
	v21 =	vsel vm3, v16, v21;
	vm3 =	vlt.f32 v14, v23  }
0x179: {  	vm4 =	vgt.f32 v15, v22;
	v23 =	vsel vm3, v14, v23;
	vm3 =	vlt.f32 v12, v24  }
0x17a: {  	v26 =	vld [tilespmem:s8+$0x1000];
	v22 =	vsel vm4, v15, v22;
	v24 =	vsel vm3, v12, v24;
	v23 =	vsub.f32 v23, v21  }
0x17b: {  	v21 =	vsub.f32 v12, v15;
	v22 =	vsub.f32 v24, v22;
	_ =	sdelay $0x1  }
0x17c: {  	v21 =	vmul.f32 v21, v25;
	vm3 =	vgt.f32 v23, $0.0e+00;
	vm15 =	vgt.f32 v22, $0.0e+00  }
0x17d: {  	v23 =	vnsel vm3, $0x0, v23;
	v22 =	vnsel vm15, $0x0, v22  }
0x17e: {  	v22 =	vmul.f32 v22, v23;
	v23 =	vadd.f32 v26, v21;
	_ =	sdelay $0x1  }
0x17f: {  	v23 =	vsub.f32 v23, v22;
	_ =	sdelay $0x1  }
0x180: {  	v23 =	vadd.f32 $1.000000010e-07, v23;
	_ =	sdelay $0x1  }
0x181: {  	(erf) = vrcp.f32 v23;
	_ =	sdelay $0x8  }
0x182: {  	v23 =	vpop (erf)  }
0x183: {  	v22 =	vmul.f32 v23, v22;
	_ =	sdelay $0x1  }
0x184: {  	v22 =	vmul.f32 v22, v22;
	_ =	sdelay $0x1  }
0x185: {  	v22 =	vmul.f32 $-2.000000000e+00, v22;
	_ =	sdelay $0x1  }
0x186: {  	v22 =	vmul.f32 $1.442695020e+00, v22;
	_ =	sdelay $0x1  }
0x187: {  	(erf) = vpow2.f32 v22;
	_ =	sdelay $0x4  }
0x188: {  	v22 =	vld [tilespmem:s8+$0x1400];
	_ =	sdelay $0x3  }
.Ltmp4:
0x189: {  	v23 =	vpop (erf);
	(pc) =	sbr.rel @!p0 .LBB2_5-.Ltmp4, $4  }
0x18a: {  	v23 =	vmul.f32 v23, v22  }
0x18b: {  	vm3 =	vge.f32 v22, $0.0e+00  }
0x18c: {  	v22 =	vsel vm3, v23, v22  }
0x18d: {  	[tilespmem:s8+$0x1400] =	vst v22  }
0x18e: {  	v22 =	vld [tilespmem:s9+$0x0]  }
0x18f: {  	v23 =	vld [tilespmem:s9+$0x400]  }
0x190: {  	v24 =	vld [tilespmem:s9+$0x800]  }
0x191: {  	v25 =	vld [tilespmem:s9+$0xC00];
	_ =	sdelay $0x3  }
0x192: {  	vm3 =	vgt.f32 v16, v22;
	vm4 =	vlt.f32 v14, v24  }
0x193: {  	vm5 =	vlt.f32 v12, v25;
	v22 =	vsel vm3, v16, v22;
	vm3 =	vgt.f32 v15, v23  }
0x194: {  	v26 =	vld [tilespmem:s9+$0x1000];
	v24 =	vsel vm4, v14, v24;
	v25 =	vsel vm5, v12, v25;
	v23 =	vsel vm3, v15, v23  }
0x195: {  	v22 =	vsub.f32 v24, v22;
	v23 =	vsub.f32 v25, v23;
	_ =	sdelay $0x1  }
0x196: {  	vm3 =	vgt.f32 v22, $0.0e+00;
	vm9 =	vgt.f32 v23, $0.0e+00  }
0x197: {  	v22 =	vnsel vm3, $0x0, v22;
	v23 =	vnsel vm9, $0x0, v23  }
0x198: {  	v22 =	vmul.f32 v23, v22;
	v23 =	vadd.f32 v26, v21;
	_ =	sdelay $0x1  }
0x199: {  	v23 =	vsub.f32 v23, v22;
	_ =	sdelay $0x1  }
0x19a: {  	v23 =	vadd.f32 $1.000000010e-07, v23;
	_ =	sdelay $0x1  }
0x19b: {  	(erf) = vrcp.f32 v23;
	_ =	sdelay $0x8  }
0x19c: {  	v23 =	vpop (erf)  }
0x19d: {  	v22 =	vmul.f32 v23, v22;
	_ =	sdelay $0x1  }
0x19e: {  	v22 =	vmul.f32 v22, v22;
	_ =	sdelay $0x1  }
0x19f: {  	v22 =	vmul.f32 $-2.000000000e+00, v22;
	_ =	sdelay $0x1  }
0x1a0: {  	v22 =	vmul.f32 $1.442695020e+00, v22;
	_ =	sdelay $0x1  }
0x1a1: {  	(erf) = vpow2.f32 v22;
	_ =	sdelay $0x4  }
0x1a2: {  	v22 =	vld [tilespmem:s9+$0x1400];
	_ =	sdelay $0x3  }
0x1a3: {  	v23 =	vpop (erf)  }
0x1a4: {  	v23 =	vmul.f32 v23, v22  }
0x1a5: {  	vm3 =	vge.f32 v22, $0.0e+00  }
0x1a6: {  	v22 =	vsel vm3, v23, v22  }
0x1a7: {  	[tilespmem:s9+$0x1400] =	vst v22  }
0x1a8: {  	v22 =	vld [tilespmem:s10+$0x0]  }
0x1a9: {  	v23 =	vld [tilespmem:s10+$0x400]  }
0x1aa: {  	v24 =	vld [tilespmem:s10+$0x800]  }
0x1ab: {  	v25 =	vld [tilespmem:s10+$0xC00];
	_ =	sdelay $0x3  }
0x1ac: {  	vm3 =	vgt.f32 v16, v22;
	vm10 =	vlt.f32 v14, v24  }
0x1ad: {  	vm11 =	vlt.f32 v12, v25;
	v22 =	vsel vm3, v16, v22;
	vm3 =	vgt.f32 v15, v23  }
0x1ae: {  	v26 =	vld [tilespmem:s10+$0x1000];
	v24 =	vsel vm10, v14, v24;
	v25 =	vsel vm11, v12, v25;
	v23 =	vsel vm3, v15, v23  }
0x1af: {  	v22 =	vsub.f32 v24, v22;
	v23 =	vsub.f32 v25, v23;
	_ =	sdelay $0x1  }
0x1b0: {  	vm3 =	vgt.f32 v22, $0.0e+00;
	vm12 =	vgt.f32 v23, $0.0e+00  }
0x1b1: {  	v22 =	vnsel vm3, $0x0, v22;
	v23 =	vnsel vm12, $0x0, v23  }
0x1b2: {  	v22 =	vmul.f32 v23, v22;
	v23 =	vadd.f32 v26, v21;
	_ =	sdelay $0x1  }
0x1b3: {  	v23 =	vsub.f32 v23, v22;
	_ =	sdelay $0x1  }
0x1b4: {  	v23 =	vadd.f32 $1.000000010e-07, v23;
	_ =	sdelay $0x1  }
0x1b5: {  	(erf) = vrcp.f32 v23;
	_ =	sdelay $0x8  }
0x1b6: {  	v23 =	vpop (erf)  }
0x1b7: {  	v22 =	vmul.f32 v23, v22;
	_ =	sdelay $0x1  }
0x1b8: {  	v22 =	vmul.f32 v22, v22;
	_ =	sdelay $0x1  }
0x1b9: {  	v22 =	vmul.f32 $-2.000000000e+00, v22;
	_ =	sdelay $0x1  }
0x1ba: {  	v22 =	vmul.f32 $1.442695020e+00, v22;
	_ =	sdelay $0x1  }
0x1bb: {  	(erf) = vpow2.f32 v22;
	_ =	sdelay $0x4  }
0x1bc: {  	v22 =	vld [tilespmem:s10+$0x1400];
	_ =	sdelay $0x3  }
0x1bd: {  	v23 =	vpop (erf)  }
0x1be: {  	v23 =	vmul.f32 v23, v22  }
0x1bf: {  	vm3 =	vge.f32 v22, $0.0e+00  }
0x1c0: {  	v22 =	vsel vm3, v23, v22  }
0x1c1: {  	[tilespmem:s10+$0x1400] =	vst v22  }
0x1c2: {  	v22 =	vld [tilespmem:s11+$0x0]  }
0x1c3: {  	v23 =	vld [tilespmem:s11+$0x400]  }
0x1c4: {  	v24 =	vld [tilespmem:s11+$0x800]  }
0x1c5: {  	v25 =	vld [tilespmem:s11+$0xC00];
	_ =	sdelay $0x3  }
0x1c6: {  	vm3 =	vgt.f32 v16, v22;
	vm13 =	vlt.f32 v14, v24  }
0x1c7: {  	vm14 =	vlt.f32 v12, v25;
	v16 =	vsel vm3, v16, v22;
	vm3 =	vgt.f32 v15, v23  }
0x1c8: {  	v14 =	vsel vm13, v14, v24;
	v12 =	vsel vm14, v12, v25;
	v22 =	vld [tilespmem:s11+$0x1000];
	v15 =	vsel vm3, v15, v23  }
0x1c9: {  	v14 =	vsub.f32 v14, v16;
	v12 =	vsub.f32 v12, v15;
	_ =	sdelay $0x1  }
0x1ca: {  	vm3 =	vgt.f32 v14, $0.0e+00;
	vm15 =	vgt.f32 v12, $0.0e+00  }
0x1cb: {  	v14 =	vnsel vm3, $0x0, v14;
	v12 =	vnsel vm15, $0x0, v12  }
0x1cc: {  	v12 =	vmul.f32 v12, v14;
	v14 =	vadd.f32 v22, v21;
	_ =	sdelay $0x1  }
0x1cd: {  	v14 =	vsub.f32 v14, v12;
	_ =	sdelay $0x1  }
0x1ce: {  	v14 =	vadd.f32 $1.000000010e-07, v14;
	_ =	sdelay $0x1  }
0x1cf: {  	(erf) = vrcp.f32 v14;
	_ =	sdelay $0x8  }
0x1d0: {  	v14 =	vpop (erf)  }
0x1d1: {  	v12 =	vmul.f32 v14, v12;
	_ =	sdelay $0x1  }
0x1d2: {  	v12 =	vmul.f32 v12, v12;
	_ =	sdelay $0x1  }
0x1d3: {  	v12 =	vmul.f32 $-2.000000000e+00, v12;
	_ =	sdelay $0x1  }
0x1d4: {  	v12 =	vmul.f32 $1.442695020e+00, v12;
	_ =	sdelay $0x1  }
0x1d5: {  	(erf) = vpow2.f32 v12;
	_ =	sdelay $0x4  }
0x1d6: {  	v12 =	vld [tilespmem:s11+$0x1400];
	_ =	sdelay $0x3  }
.Ltmp5:
0x1d7: {  	v14 =	vpop (erf);
	(pc) =	sbr.rel .LBB2_6-.Ltmp5, $4  }
0x1d8: {  	v14 =	vmul.f32 v14, v12  }
0x1d9: {  	vm3 =	vge.f32 v12, $0.0e+00  }
0x1da: {  	v27 =	vmov v19;
	v12 =	vsel vm3, v14, v12  }
0x1db: {  	p0 =	por $0x0, $0x0;
	v28 =	vmovc v20;
	v26 =	vmovc v18;
	v24 =	vmov v13;
	v25 =	vmov v17;
	v23 =	vmov v11;
	[tilespmem:s11+$0x1400] =	vst v12  }
.LBB2_7:
0x1dc: {  	s2 =	simm.s32 $0x0  }
0x1dd: {  	[hbm4b:s16+s2] =	stream.linear.scatter [tilespmem:s15], [sflag:$0x1], $0x40, $0x38;
	[tilespmem:$0x1D10] =	vst v63  }
0x1de: {  	_ =	swait.ge [sflag:s3], $0x40  }
0x1df: {  	[sflag:s3] =	ssyncset.done $0x0  }
0x1e0: {  	[sflag:s3] =	ssyncadd.s32 $0xFFFFFFC0  }
.LBB2_8:
0x1e1: {  	_ =	sfence.sel $0x180000  }
0x1e2: {  	[bflag:$0x0] =	sbarrier.arrive $0xFFFF  }
0x1e3: {  	p0 =	sne.s32 s1, $0x0;
	_ =	strace $0x90000047  }
0x1e4: {  	s0 =	sadd.s32 @!p0 $0x100000, s0;
	[bflag:$0x2] =	sbarrier.arrive $0xFFFF  }
0x1e5: {  	[sflag:s0] =	ssyncadd.tile.s32 @!p0 $0x1;
	_ =	shalt  }
.Lfunc_end2:
_tile_overlayer_lowered:
.L_overlay_start_2:
0x1e6: {  	(tag) =	ssettag $0x2  }
0x1e7: {  	s0 =	rddreg [dreg:$0x0];
	s2 =	stileid.u32  }
0x1e8: {  	s1 =	rddreg [dreg:$0x1];
	p0 =	sne.s32 s2, $0x0  }
0x1e9: {  	s3 =	rddreg [dreg:$0x2];
	[bflag:$0x3] =	sbarrier.arrive $0xFFFF;
	s2 =	simm.s32 @!p0 $0x1C01  }
0x1ea: {  	[timem:s3], [sflag:s2] =	dma.local @!p0 [hbm:s0], s1  }
0x1eb: {  	s0 =	simm.s32 @!p0 $0x1  }
0x1ec: {  	_ =	swait.ge @!p0 [sflag:s0], s1  }
0x1ed: {  	s1 =	ssub.s32 @!p0 $0x0, s1;
	[sflag:s0] =	ssyncset.done @!p0 $0x0  }
0x1ee: {  	[sflag:s0] =	ssyncadd.s32 @!p0 s1  }
0x1ef: {  	[bflag:$0x3] =	sbarrier.arrive $0xFFFF  }
0x1f0: {  	_ =	shalt  }

</sc_bundles>
